<compile_context>
chip_gen: v7x
topology: tpu7x:2x2x1
jax: 0.10.2.dev20260603
libtpu: 0.0.44.dev20260713+nightly
codegen_flags: <defaults>
</compile_context>

<pallas_src>
import functools

import jax
import jax.numpy as jnp
import numpy as np
from jax import lax
from jax.experimental import pallas as pl
from jax.experimental.pallas import tpu as pltpu
from jax.experimental.pallas import tpu_sc as plsc

B, N, C, D = 4, 4096, 3, 64
S = 1024
RADII2 = (0.2 ** 2, 0.4 ** 2, 0.8 ** 2)
KS = (16, 32, 64)
SCALE = float(1.0 / np.sqrt(1.0 + 1e-5))



def _fps_body(x_ref, y_ref, z_ref, nx_ref, ny_ref, nz_ref):
    Xv = x_ref[...]
    Yv = y_ref[...]
    Zv = z_ref[...]
    lane = lax.broadcasted_iota(jnp.int32, (B, N), 1)
    lane_s = lax.broadcasted_iota(jnp.int32, (B, S), 1)

    def body(i, carry):
        far, dist, ax, ay, az = carry
        onehot = lane == far
        cx = jnp.sum(jnp.where(onehot, Xv, 0.0), axis=1, keepdims=True)
        cy = jnp.sum(jnp.where(onehot, Yv, 0.0), axis=1, keepdims=True)
        cz = jnp.sum(jnp.where(onehot, Zv, 0.0), axis=1, keepdims=True)
        hit = lane_s == i
        ax = jnp.where(hit, cx, ax)
        ay = jnp.where(hit, cy, ay)
        az = jnp.where(hit, cz, az)
        dx = Xv - cx
        dy = Yv - cy
        dz = Zv - cz
        d = (dx * dx + dy * dy) + dz * dz
        dist = jnp.minimum(dist, d)
        m = jnp.max(dist, axis=1, keepdims=True)
        far = jnp.min(jnp.where(dist == m, lane, N), axis=1, keepdims=True)
        return far, dist, ax, ay, az

    far0 = jnp.zeros((B, 1), jnp.int32)
    dist0 = jnp.full((B, N), 1e10, jnp.float32)
    zs = jnp.zeros((B, S), jnp.float32)
    _, _, ax, ay, az = lax.fori_loop(0, S, body, (far0, dist0, zs, zs, zs))
    nx_ref[...] = ax
    ny_ref[...] = ay
    nz_ref[...] = az


def _fps(xc):
    out = pl.pallas_call(
        _fps_body,
        out_shape=[jax.ShapeDtypeStruct((B, S), jnp.float32)] * 3,
    )(xc[:, 0], xc[:, 1], xc[:, 2])
    return out




def _mlp_body(f_ref, w1_ref, b1_ref, w2_ref, b2_ref, y0_ref, y1_ref, y2_ref):
    x = f_ref[...]
    h = jnp.dot(x, w1_ref[...], preferred_element_type=jnp.float32)
    h = jnp.maximum((h + b1_ref[...]) * SCALE, 0.0)
    y = jnp.dot(h, w2_ref[...], preferred_element_type=jnp.float32)
    y = jnp.maximum((y + b2_ref[...]) * SCALE, 0.0)
    y0_ref[...] = y[:, 0:128]
    y1_ref[...] = y[:, 128:256]
    y2_ref[...] = y[:, 256:384]


def _mlp_all_points(features, w1, b1, w2, b2):
    rows = B * N
    blk = 2048
    grid = rows // blk
    outs = pl.pallas_call(
        _mlp_body,
        grid=(grid,),
        in_specs=[
            pl.BlockSpec((blk, 64), lambda i: (i, 0)),
            pl.BlockSpec((64, 288), lambda i: (0, 0)),
            pl.BlockSpec((1, 288), lambda i: (0, 0)),
            pl.BlockSpec((288, 384), lambda i: (0, 0)),
            pl.BlockSpec((1, 384), lambda i: (0, 0)),
        ],
        out_specs=[pl.BlockSpec((blk, 128), lambda i: (i, 0))] * 3,
        out_shape=[jax.ShapeDtypeStruct((rows, 128), jnp.float32)] * 3,
    )(features, w1, b1, w2, b2)
    return outs



_NC = 2
_NS = 16
_NW = _NC * _NS
_CPW = (B * S) // _NW


def _sc_body(px_hbm, py_hbm, pz_hbm, cx_hbm, cy_hbm, cz_hbm,
             y0_hbm, y1_hbm, y2_hbm, out_hbm,
             xv, yv, zv, cxv, cyv, czv,
             idx0, idx1, idx2, rows0, rows1, rows2, orow,
             sem0, sem1, sem2):
    wid = lax.axis_index("s") * _NC + lax.axis_index("c")
    b = wid // (_NW // B)
    pltpu.sync_copy(px_hbm.at[b], xv)
    pltpu.sync_copy(py_hbm.at[b], yv)
    pltpu.sync_copy(pz_hbm.at[b], zv)
    pltpu.sync_copy(cx_hbm.at[wid], cxv)
    pltpu.sync_copy(cy_hbm.at[wid], cyv)
    pltpu.sync_copy(cz_hbm.at[wid], czv)

    iota16 = lax.broadcasted_iota(jnp.int32, (16,), 0)
    z16 = jnp.zeros((16,), jnp.int32)
    bN = b * N
    base_row = wid * _CPW
    bufs = (idx0, idx1, idx2)
    rbufs = (rows0, rows1, rows2)
    sems = (sem0, sem1, sem2)

    def center(j, _):
        jv = jnp.full((16,), j, jnp.int32)
        cx = plsc.load_gather(cxv, [jv])
        cy = plsc.load_gather(cyv, [jv])
        cz = plsc.load_gather(czv, [jv])

        def cond(st):
            n, c0, c1, c2 = st
            return (n < N) & ((c0 < KS[0]) | (c1 < KS[1]) | (c2 < KS[2]))

        def scan(st):
            n, c0, c1, c2 = st
            nv = iota16 + n
            px = plsc.load_gather(xv, [nv])
            py = plsc.load_gather(yv, [nv])
            pz = plsc.load_gather(zv, [nv])
            dx = px - cx
            dy = py - cy
            dz = pz - cz
            d = (dx * dx + dy * dy) + dz * dz
            gv = nv + bN
            cnts = []
            for (cnt, K, r2, buf) in zip((c0, c1, c2), KS, RADII2, bufs):
                m = d <= r2
                csum = plsc.cumsum(m.astype(jnp.int32))
                pos = csum + (cnt - 1)
                plsc.store_scatter(buf, [pos], gv, mask=m & (pos < K))
                cnts.append(cnt + csum[15])
            return (n + 16, cnts[0], cnts[1], cnts[2])

        _, c0, c1, c2 = lax.while_loop(cond, scan, (0, 0, 0, 0))

        for (cnt, K, buf) in zip((c0, c1, c2), KS, bufs):
            i0 = plsc.load_gather(buf, [z16])
            for cc in range(K // 16):
                lanev = iota16 + cc * 16
                chunk = buf[cc * 16:(cc + 1) * 16]
                buf[cc * 16:(cc + 1) * 16] = jnp.where(lanev < cnt, chunk, i0)

        cps = [
            pltpu.async_copy(y_hbm.at[buf], rbuf, sem)
            for (y_hbm, buf, rbuf, sem) in zip(
                (y0_hbm, y1_hbm, y2_hbm), bufs, rbufs, sems)
        ]
        for bi, (cp, K, rbuf) in enumerate(zip(cps, KS, rbufs)):
            cp.wait()

            def red(k, acc):
                return tuple(
                    jnp.maximum(acc[cc], rbuf[k, cc * 16:(cc + 1) * 16])
                    for cc in range(8))

            acc = lax.fori_loop(
                0, K, red, tuple(jnp.full((16,), -jnp.inf, jnp.float32)
                                 for _ in range(8)))
            for cc in range(8):
                orow[bi * 128 + cc * 16: bi * 128 + (cc + 1) * 16] = acc[cc]
        pltpu.sync_copy(orow, out_hbm.at[base_row + j])
        return 0

    lax.fori_loop(0, _CPW, center, 0)


def _sc_group_max(px, py, pz, cx, cy, cz, y0, y1, y2):
    mesh = plsc.VectorSubcoreMesh(core_axis_name="c", subcore_axis_name="s")
    f = pl.kernel(
        _sc_body,
        out_type=jax.ShapeDtypeStruct((B * S, 384), jnp.float32),
        mesh=mesh,
        scratch_types=[
            pltpu.VMEM((N,), jnp.float32),
            pltpu.VMEM((N,), jnp.float32),
            pltpu.VMEM((N,), jnp.float32),
            pltpu.VMEM((_CPW,), jnp.float32),
            pltpu.VMEM((_CPW,), jnp.float32),
            pltpu.VMEM((_CPW,), jnp.float32),
            pltpu.VMEM((KS[0],), jnp.int32),
            pltpu.VMEM((KS[1],), jnp.int32),
            pltpu.VMEM((KS[2],), jnp.int32),
            pltpu.VMEM((KS[0], 128), jnp.float32),
            pltpu.VMEM((KS[1], 128), jnp.float32),
            pltpu.VMEM((KS[2], 128), jnp.float32),
            pltpu.VMEM((384,), jnp.float32),
            pltpu.SemaphoreType.DMA,
            pltpu.SemaphoreType.DMA,
            pltpu.SemaphoreType.DMA,
        ],
        compiler_params=pltpu.CompilerParams(needs_layout_passes=False),
    )
    return f(px, py, pz, cx, cy, cz, y0, y1, y2)




def kernel(xyz, features, W0_0, b0_0, W0_1, b0_1, W1_0, b1_0, W1_1, b1_1,
           W2_0, b2_0, W2_1, b2_1):
    xc = jnp.transpose(xyz, (0, 2, 1))
    nx, ny, nz = _fps(xc)
    new_xyz_t = jnp.stack([nx, ny, nz], axis=1)

    w1 = jnp.concatenate([W0_0.T, W1_0.T, W2_0.T], axis=1)
    b1 = jnp.concatenate([b0_0, b1_0, b2_0]).reshape(1, 288)
    w2 = jnp.zeros((288, 384), jnp.float32)
    w2 = w2.at[0:64, 0:128].set(W0_1.T)
    w2 = w2.at[64:160, 128:256].set(W1_1.T)
    w2 = w2.at[160:288, 256:384].set(W2_1.T)
    b2 = jnp.concatenate([b0_1, b1_1, b2_1]).reshape(1, 384)
    y0, y1, y2 = _mlp_all_points(features.reshape(B * N, D), w1, b1, w2, b2)

    cx = nx.reshape(_NW, _CPW)
    cy = ny.reshape(_NW, _CPW)
    cz = nz.reshape(_NW, _CPW)
    outp = _sc_group_max(xc[:, 0], xc[:, 1], xc[:, 2], cx, cy, cz,
                         y0, y1, y2)
    new_points = outp.reshape(B, S, 384).transpose(0, 2, 1)
    return new_xyz_t, new_points

# --- scband reference (transcript-rebuilt; emitter-appended) ---
"""Pipeline reference for scband-point-net-set-abstraction-msg-31980326486608 (READ-ONLY COPY).

The authoritative reference and input builder live on the scoring server;
editing this copy changes nothing except your own understanding.
"""

import jax, jax.numpy as jnp
import numpy as np

RATIO = 0.25
RADIUS_LIST = [0.2, 0.4, 0.8]
MAX_SAMPLE_LIST = [16, 32, 64]
MLP_LIST = [[64, 64, 128], [64, 96, 128], [64, 128, 128]]
BN_EPS = 1e-5
B, N, C, D = 4, 4096, 3, 64


def setup_inputs(seed: int = 0):
    key = jax.random.key(seed)
    ks = jax.random.split(key, 16)
    inp = {}
    inp["xyz"] = jax.random.uniform(ks[0], (B, N, C), dtype=jnp.float32)
    inp["features"] = jax.random.normal(ks[1], (B, N, D), dtype=jnp.float32)
    ki = 2
    for bi, channels in enumerate(MLP_LIST):
        for li in range(len(channels) - 1):
            cin, cout = channels[li], channels[li + 1]
            inp["W%d_%d" % (bi, li)] = jax.random.normal(ks[ki], (cout, cin), dtype=jnp.float32) * (1.0 / np.sqrt(cin))
            ki += 1
            inp["b%d_%d" % (bi, li)] = jnp.zeros((cout,), dtype=jnp.float32)
    return inp


def farthest_point_sample(xyz, npoint):
    b, n, _ = xyz.shape

    def body(i, state):
        centroids, distance, farthest = state
        centroids = centroids.at[:, i].set(farthest)
        centroid = xyz[jnp.arange(b), farthest][:, None, :]
        dist = jnp.sum((xyz - centroid) ** 2, axis=-1)
        distance = jnp.minimum(distance, dist)
        farthest = jnp.argmax(distance, axis=-1).astype(jnp.int32)
        return centroids, distance, farthest

    centroids = jnp.zeros((b, npoint), dtype=jnp.int32)
    distance = jnp.full((b, n), 1e10, dtype=jnp.float32)
    farthest = jnp.zeros((b,), dtype=jnp.int32)
    centroids, _, _ = jax.lax.fori_loop(0, npoint, body, (centroids, distance, farthest))
    return centroids


def index_points(points, idx):
    batch = jnp.arange(points.shape[0]).reshape((points.shape[0],) + (1,) * (idx.ndim - 1))
    return points[batch, idx]


def square_distance(src, dst):
    return jnp.sum((src[:, :, None, :] - dst[:, None, :, :]) ** 2, axis=-1)


def query_ball_point(radius, nsample, xyz, new_xyz):
    b, n, _ = xyz.shape
    s = new_xyz.shape[1]
    group_idx = jnp.broadcast_to(jnp.arange(n, dtype=jnp.int32), (b, s, n))
    sqrdists = square_distance(new_xyz, xyz)
    group_idx = jnp.where(sqrdists > radius ** 2, n, group_idx)
    group_idx = jnp.sort(group_idx, axis=-1)[:, :, :nsample]
    group_first = jnp.broadcast_to(group_idx[:, :, :1], (b, s, nsample))
    group_idx = jnp.where(group_idx == n, group_first, group_idx)
    return group_idx


def branch_mlp(x, Ws, bs):
    # x: [B, D, K, S]; 1x1 Conv2d + BatchNorm2d (inference, init stats) + ReLU per layer
    for W, bias in zip(Ws, bs):
        x = jnp.einsum('bdks,od->boks', x, W) + bias[None, :, None, None]
        x = x / jnp.sqrt(1.0 + BN_EPS)
        x = jax.nn.relu(x)
    return x


def _forward(xyz, features, params):
    s = int(xyz.shape[1] * RATIO)
    fps_idx = farthest_point_sample(xyz, s)
    new_xyz = index_points(xyz, fps_idx)
    new_points_list = []
    for i, radius in enumerate(RADIUS_LIST):
        K = MAX_SAMPLE_LIST[i]
        group_idx = query_ball_point(radius, K, xyz, new_xyz)
        grouped = index_points(features, group_idx)
        grouped = jnp.transpose(grouped, (0, 3, 2, 1))
        out = branch_mlp(grouped, params[i][0], params[i][1])
        new_points_list.append(jnp.max(out, axis=2))
    new_xyz_t = jnp.transpose(new_xyz, (0, 2, 1))
    return new_xyz_t, jnp.concatenate(new_points_list, axis=1)


def reference(xyz, features, W0_0, b0_0, W0_1, b0_1, W1_0, b1_0, W1_1, b1_1, W2_0, b2_0, W2_1, b2_1):
    params = [([W0_0, W0_1], [b0_0, b0_1]),
              ([W1_0, W1_1], [b1_0, b1_1]),
              ([W2_0, W2_1], [b2_0, b2_1])]
    return _forward(xyz, features, params)

if __name__ == "__main__":
    import jax
    _d = setup_inputs()
    print(jax.jit(kernel)(*tuple(_d.values())))

</pallas_src>

<mosaic_0001>
#map = affine_map<(d0, d1) -> (0, 0)>
module attributes {stable_mosaic.version = 14 : i64} {
  func.func @_sc_body(%arg0: i32, %arg1: i32, %arg2: memref<4x4096xf32, #tpu.memory_space<hbm>>, %arg3: memref<4x4096xf32, #tpu.memory_space<hbm>>, %arg4: memref<4x4096xf32, #tpu.memory_space<hbm>>, %arg5: memref<32x128xf32, #tpu.memory_space<hbm>>, %arg6: memref<32x128xf32, #tpu.memory_space<hbm>>, %arg7: memref<32x128xf32, #tpu.memory_space<hbm>>, %arg8: memref<16384x128xf32, #tpu.memory_space<hbm>>, %arg9: memref<16384x128xf32, #tpu.memory_space<hbm>>, %arg10: memref<16384x128xf32, #tpu.memory_space<hbm>>, %arg11: memref<4096x384xf32, #tpu.memory_space<hbm>>, %arg12: memref<4096xf32, #tpu.memory_space<vmem>>, %arg13: memref<4096xf32, #tpu.memory_space<vmem>>, %arg14: memref<4096xf32, #tpu.memory_space<vmem>>, %arg15: memref<128xf32, #tpu.memory_space<vmem>>, %arg16: memref<128xf32, #tpu.memory_space<vmem>>, %arg17: memref<128xf32, #tpu.memory_space<vmem>>, %arg18: memref<16xi32, #tpu.memory_space<vmem>>, %arg19: memref<32xi32, #tpu.memory_space<vmem>>, %arg20: memref<64xi32, #tpu.memory_space<vmem>>, %arg21: memref<16x128xf32, #tpu.memory_space<vmem>>, %arg22: memref<32x128xf32, #tpu.memory_space<vmem>>, %arg23: memref<64x128xf32, #tpu.memory_space<vmem>>, %arg24: memref<384xf32, #tpu.memory_space<vmem>>, %arg25: memref<!tpu.dma_semaphore, #tpu.memory_space<semaphore_mem>>, %arg26: memref<!tpu.dma_semaphore, #tpu.memory_space<semaphore_mem>>, %arg27: memref<!tpu.dma_semaphore, #tpu.memory_space<semaphore_mem>>) attributes {dimension_semantics = [#tpu.dimension_semantics<core_parallel>, #tpu.dimension_semantics<subcore_parallel>], iteration_bounds = array<i64: 2, 16>, scalar_prefetch = 0 : i64, scratch_operands = 16 : i64, tpu.core_type = #tpu.core_type<sc_vector_subcore>, window_params = [{transform_indices = #map}, {transform_indices = #map}, {transform_indices = #map}, {transform_indices = #map}, {transform_indices = #map}, {transform_indices = #map}, {transform_indices = #map}, {transform_indices = #map}, {transform_indices = #map}, {transform_indices = #map}]} {
    %mul3A = arith.constant 2 : i32
    %mul3A_0 = arith.muli %arg1, %mul3A : i32
    %add3A = arith.addi %mul3A_0, %arg0 : i32
    %jit3A = arith.constant 8 : i32
    %div3A = arith.divsi %add3A, %jit3A : i32
    %sign3A = arith.constant 0 : i32
    %sign3A_1 = arith.cmpi sgt, %add3A, %sign3A : i32
    %sign3A_2 = arith.extui %sign3A_1 : i1 to i32
    %sign3A_3 = arith.constant 0 : i32
    %sign3A_4 = arith.cmpi slt, %add3A, %sign3A_3 : i32
    %sign3A_5 = arith.extui %sign3A_4 : i1 to i32
    %sign3A_6 = arith.subi %sign3A_2, %sign3A_5 : i32
    %sign3A_7 = arith.constant 0 : i32
    %sign3A_8 = arith.cmpi sgt, %jit3A, %sign3A_7 : i32
    %sign3A_9 = arith.extui %sign3A_8 : i1 to i32
    %sign3A_10 = arith.constant 0 : i32
    %sign3A_11 = arith.cmpi slt, %jit3A, %sign3A_10 : i32
    %sign3A_12 = arith.extui %sign3A_11 : i1 to i32
    %sign3A_13 = arith.subi %sign3A_9, %sign3A_12 : i32
    %ne3A = arith.cmpi ne, %sign3A_6, %sign3A_13 : i32
    %rem3A = arith.remsi %add3A, %jit3A : i32
    %ne3A_14 = arith.constant 0 : i32
    %ne3A_15 = arith.cmpi ne, %rem3A, %ne3A_14 : i32
    %and3A = arith.andi %ne3A, %ne3A_15 : i1
    %sub3A = arith.constant 1 : i32
    %sub3A_16 = arith.subi %div3A, %sub3A : i32
    %select_n3A = arith.select %and3A, %sub3A_16, %div3A : i32
    "tpu.region"() ({
      %run_scoped3A = tpu.sem_alloc : memref<!tpu.dma_semaphore, #tpu.memory_space<semaphore_mem>>
      %dma_start3A = arith.constant 0 : i32
      %dma_start3A_28 = tpu.memref_slice %arg2[%select_n3A, %dma_start3A] : memref<4x4096xf32, #tpu.memory_space<hbm>> -> memref<1x4096xf32, #tpu.memory_space<hbm>>
      %dma_start3A_29 = tpu.memref_squeeze %dma_start3A_28 : memref<1x4096xf32, #tpu.memory_space<hbm>> -> memref<4096xf32, #tpu.memory_space<hbm>>
      %dma_start3A_30 = arith.constant 0 : i32
      %dma_start3A_31 = tpu.memref_slice %arg2[%select_n3A, %dma_start3A_30] : memref<4x4096xf32, #tpu.memory_space<hbm>> -> memref<1x4096xf32, #tpu.memory_space<hbm>>
      %dma_start3A_32 = tpu.memref_squeeze %dma_start3A_31 : memref<1x4096xf32, #tpu.memory_space<hbm>> -> memref<4096xf32, #tpu.memory_space<hbm>>
      tpu.enqueue_dma source(%dma_start3A_32 : memref<4096xf32, #tpu.memory_space<hbm>>) target(%arg12 : memref<4096xf32, #tpu.memory_space<vmem>>) target_semaphore(%run_scoped3A : memref<!tpu.dma_semaphore, #tpu.memory_space<semaphore_mem>>)
      %dma_wait3A = arith.constant 0 : i32
      %dma_wait3A_33 = tpu.memref_slice %arg2[%select_n3A, %dma_wait3A] : memref<4x4096xf32, #tpu.memory_space<hbm>> -> memref<1x4096xf32, #tpu.memory_space<hbm>>
      %dma_wait3A_34 = tpu.memref_squeeze %dma_wait3A_33 : memref<1x4096xf32, #tpu.memory_space<hbm>> -> memref<4096xf32, #tpu.memory_space<hbm>>
      %dma_wait3A_35 = arith.constant 0 : i32
      %dma_wait3A_36 = tpu.memref_slice %arg2[%select_n3A, %dma_wait3A_35] : memref<4x4096xf32, #tpu.memory_space<hbm>> -> memref<1x4096xf32, #tpu.memory_space<hbm>>
      %dma_wait3A_37 = tpu.memref_squeeze %dma_wait3A_36 : memref<1x4096xf32, #tpu.memory_space<hbm>> -> memref<4096xf32, #tpu.memory_space<hbm>>
      tpu.wait_dma2 semaphore(%run_scoped3A : memref<!tpu.dma_semaphore, #tpu.memory_space<semaphore_mem>>) src(%dma_wait3A_37 : memref<4096xf32, #tpu.memory_space<hbm>>) dst(%arg12 : memref<4096xf32, #tpu.memory_space<vmem>>)
      tpu.yield
    }) : () -> ()
    "tpu.region"() ({
      %run_scoped3A = tpu.sem_alloc : memref<!tpu.dma_semaphore, #tpu.memory_space<semaphore_mem>>
      %dma_start3A = arith.constant 0 : i32
      %dma_start3A_28 = tpu.memref_slice %arg3[%select_n3A, %dma_start3A] : memref<4x4096xf32, #tpu.memory_space<hbm>> -> memref<1x4096xf32, #tpu.memory_space<hbm>>
      %dma_start3A_29 = tpu.memref_squeeze %dma_start3A_28 : memref<1x4096xf32, #tpu.memory_space<hbm>> -> memref<4096xf32, #tpu.memory_space<hbm>>
      %dma_start3A_30 = arith.constant 0 : i32
      %dma_start3A_31 = tpu.memref_slice %arg3[%select_n3A, %dma_start3A_30] : memref<4x4096xf32, #tpu.memory_space<hbm>> -> memref<1x4096xf32, #tpu.memory_space<hbm>>
      %dma_start3A_32 = tpu.memref_squeeze %dma_start3A_31 : memref<1x4096xf32, #tpu.memory_space<hbm>> -> memref<4096xf32, #tpu.memory_space<hbm>>
      tpu.enqueue_dma source(%dma_start3A_32 : memref<4096xf32, #tpu.memory_space<hbm>>) target(%arg13 : memref<4096xf32, #tpu.memory_space<vmem>>) target_semaphore(%run_scoped3A : memref<!tpu.dma_semaphore, #tpu.memory_space<semaphore_mem>>)
      %dma_wait3A = arith.constant 0 : i32
      %dma_wait3A_33 = tpu.memref_slice %arg3[%select_n3A, %dma_wait3A] : memref<4x4096xf32, #tpu.memory_space<hbm>> -> memref<1x4096xf32, #tpu.memory_space<hbm>>
      %dma_wait3A_34 = tpu.memref_squeeze %dma_wait3A_33 : memref<1x4096xf32, #tpu.memory_space<hbm>> -> memref<4096xf32, #tpu.memory_space<hbm>>
      %dma_wait3A_35 = arith.constant 0 : i32
      %dma_wait3A_36 = tpu.memref_slice %arg3[%select_n3A, %dma_wait3A_35] : memref<4x4096xf32, #tpu.memory_space<hbm>> -> memref<1x4096xf32, #tpu.memory_space<hbm>>
      %dma_wait3A_37 = tpu.memref_squeeze %dma_wait3A_36 : memref<1x4096xf32, #tpu.memory_space<hbm>> -> memref<4096xf32, #tpu.memory_space<hbm>>
      tpu.wait_dma2 semaphore(%run_scoped3A : memref<!tpu.dma_semaphore, #tpu.memory_space<semaphore_mem>>) src(%dma_wait3A_37 : memref<4096xf32, #tpu.memory_space<hbm>>) dst(%arg13 : memref<4096xf32, #tpu.memory_space<vmem>>)
      tpu.yield
    }) : () -> ()
    "tpu.region"() ({
      %run_scoped3A = tpu.sem_alloc : memref<!tpu.dma_semaphore, #tpu.memory_space<semaphore_mem>>
      %dma_start3A = arith.constant 0 : i32
      %dma_start3A_28 = tpu.memref_slice %arg4[%select_n3A, %dma_start3A] : memref<4x4096xf32, #tpu.memory_space<hbm>> -> memref<1x4096xf32, #tpu.memory_space<hbm>>
      %dma_start3A_29 = tpu.memref_squeeze %dma_start3A_28 : memref<1x4096xf32, #tpu.memory_space<hbm>> -> memref<4096xf32, #tpu.memory_space<hbm>>
      %dma_start3A_30 = arith.constant 0 : i32
      %dma_start3A_31 = tpu.memref_slice %arg4[%select_n3A, %dma_start3A_30] : memref<4x4096xf32, #tpu.memory_space<hbm>> -> memref<1x4096xf32, #tpu.memory_space<hbm>>
      %dma_start3A_32 = tpu.memref_squeeze %dma_start3A_31 : memref<1x4096xf32, #tpu.memory_space<hbm>> -> memref<4096xf32, #tpu.memory_space<hbm>>
      tpu.enqueue_dma source(%dma_start3A_32 : memref<4096xf32, #tpu.memory_space<hbm>>) target(%arg14 : memref<4096xf32, #tpu.memory_space<vmem>>) target_semaphore(%run_scoped3A : memref<!tpu.dma_semaphore, #tpu.memory_space<semaphore_mem>>)
      %dma_wait3A = arith.constant 0 : i32
      %dma_wait3A_33 = tpu.memref_slice %arg4[%select_n3A, %dma_wait3A] : memref<4x4096xf32, #tpu.memory_space<hbm>> -> memref<1x4096xf32, #tpu.memory_space<hbm>>
      %dma_wait3A_34 = tpu.memref_squeeze %dma_wait3A_33 : memref<1x4096xf32, #tpu.memory_space<hbm>> -> memref<4096xf32, #tpu.memory_space<hbm>>
      %dma_wait3A_35 = arith.constant 0 : i32
      %dma_wait3A_36 = tpu.memref_slice %arg4[%select_n3A, %dma_wait3A_35] : memref<4x4096xf32, #tpu.memory_space<hbm>> -> memref<1x4096xf32, #tpu.memory_space<hbm>>
      %dma_wait3A_37 = tpu.memref_squeeze %dma_wait3A_36 : memref<1x4096xf32, #tpu.memory_space<hbm>> -> memref<4096xf32, #tpu.memory_space<hbm>>
      tpu.wait_dma2 semaphore(%run_scoped3A : memref<!tpu.dma_semaphore, #tpu.memory_space<semaphore_mem>>) src(%dma_wait3A_37 : memref<4096xf32, #tpu.memory_space<hbm>>) dst(%arg14 : memref<4096xf32, #tpu.memory_space<vmem>>)
      tpu.yield
    }) : () -> ()
    "tpu.region"() ({
      %run_scoped3A = tpu.sem_alloc : memref<!tpu.dma_semaphore, #tpu.memory_space<semaphore_mem>>
      %dma_start3A = arith.constant 0 : i32
      %dma_start3A_28 = tpu.memref_slice %arg5[%add3A, %dma_start3A] : memref<32x128xf32, #tpu.memory_space<hbm>> -> memref<1x128xf32, #tpu.memory_space<hbm>>
      %dma_start3A_29 = tpu.memref_squeeze %dma_start3A_28 : memref<1x128xf32, #tpu.memory_space<hbm>> -> memref<128xf32, #tpu.memory_space<hbm>>
      %dma_start3A_30 = arith.constant 0 : i32
      %dma_start3A_31 = tpu.memref_slice %arg5[%add3A, %dma_start3A_30] : memref<32x128xf32, #tpu.memory_space<hbm>> -> memref<1x128xf32, #tpu.memory_space<hbm>>
      %dma_start3A_32 = tpu.memref_squeeze %dma_start3A_31 : memref<1x128xf32, #tpu.memory_space<hbm>> -> memref<128xf32, #tpu.memory_space<hbm>>
      tpu.enqueue_dma source(%dma_start3A_32 : memref<128xf32, #tpu.memory_space<hbm>>) target(%arg15 : memref<128xf32, #tpu.memory_space<vmem>>) target_semaphore(%run_scoped3A : memref<!tpu.dma_semaphore, #tpu.memory_space<semaphore_mem>>)
      %dma_wait3A = arith.constant 0 : i32
      %dma_wait3A_33 = tpu.memref_slice %arg5[%add3A, %dma_wait3A] : memref<32x128xf32, #tpu.memory_space<hbm>> -> memref<1x128xf32, #tpu.memory_space<hbm>>
      %dma_wait3A_34 = tpu.memref_squeeze %dma_wait3A_33 : memref<1x128xf32, #tpu.memory_space<hbm>> -> memref<128xf32, #tpu.memory_space<hbm>>
      %dma_wait3A_35 = arith.constant 0 : i32
      %dma_wait3A_36 = tpu.memref_slice %arg5[%add3A, %dma_wait3A_35] : memref<32x128xf32, #tpu.memory_space<hbm>> -> memref<1x128xf32, #tpu.memory_space<hbm>>
      %dma_wait3A_37 = tpu.memref_squeeze %dma_wait3A_36 : memref<1x128xf32, #tpu.memory_space<hbm>> -> memref<128xf32, #tpu.memory_space<hbm>>
      tpu.wait_dma2 semaphore(%run_scoped3A : memref<!tpu.dma_semaphore, #tpu.memory_space<semaphore_mem>>) src(%dma_wait3A_37 : memref<128xf32, #tpu.memory_space<hbm>>) dst(%arg15 : memref<128xf32, #tpu.memory_space<vmem>>)
      tpu.yield
    }) : () -> ()
    "tpu.region"() ({
      %run_scoped3A = tpu.sem_alloc : memref<!tpu.dma_semaphore, #tpu.memory_space<semaphore_mem>>
      %dma_start3A = arith.constant 0 : i32
      %dma_start3A_28 = tpu.memref_slice %arg6[%add3A, %dma_start3A] : memref<32x128xf32, #tpu.memory_space<hbm>> -> memref<1x128xf32, #tpu.memory_space<hbm>>
      %dma_start3A_29 = tpu.memref_squeeze %dma_start3A_28 : memref<1x128xf32, #tpu.memory_space<hbm>> -> memref<128xf32, #tpu.memory_space<hbm>>
      %dma_start3A_30 = arith.constant 0 : i32
      %dma_start3A_31 = tpu.memref_slice %arg6[%add3A, %dma_start3A_30] : memref<32x128xf32, #tpu.memory_space<hbm>> -> memref<1x128xf32, #tpu.memory_space<hbm>>
      %dma_start3A_32 = tpu.memref_squeeze %dma_start3A_31 : memref<1x128xf32, #tpu.memory_space<hbm>> -> memref<128xf32, #tpu.memory_space<hbm>>
      tpu.enqueue_dma source(%dma_start3A_32 : memref<128xf32, #tpu.memory_space<hbm>>) target(%arg16 : memref<128xf32, #tpu.memory_space<vmem>>) target_semaphore(%run_scoped3A : memref<!tpu.dma_semaphore, #tpu.memory_space<semaphore_mem>>)
      %dma_wait3A = arith.constant 0 : i32
      %dma_wait3A_33 = tpu.memref_slice %arg6[%add3A, %dma_wait3A] : memref<32x128xf32, #tpu.memory_space<hbm>> -> memref<1x128xf32, #tpu.memory_space<hbm>>
      %dma_wait3A_34 = tpu.memref_squeeze %dma_wait3A_33 : memref<1x128xf32, #tpu.memory_space<hbm>> -> memref<128xf32, #tpu.memory_space<hbm>>
      %dma_wait3A_35 = arith.constant 0 : i32
      %dma_wait3A_36 = tpu.memref_slice %arg6[%add3A, %dma_wait3A_35] : memref<32x128xf32, #tpu.memory_space<hbm>> -> memref<1x128xf32, #tpu.memory_space<hbm>>
      %dma_wait3A_37 = tpu.memref_squeeze %dma_wait3A_36 : memref<1x128xf32, #tpu.memory_space<hbm>> -> memref<128xf32, #tpu.memory_space<hbm>>
      tpu.wait_dma2 semaphore(%run_scoped3A : memref<!tpu.dma_semaphore, #tpu.memory_space<semaphore_mem>>) src(%dma_wait3A_37 : memref<128xf32, #tpu.memory_space<hbm>>) dst(%arg16 : memref<128xf32, #tpu.memory_space<vmem>>)
      tpu.yield
    }) : () -> ()
    "tpu.region"() ({
      %run_scoped3A = tpu.sem_alloc : memref<!tpu.dma_semaphore, #tpu.memory_space<semaphore_mem>>
      %dma_start3A = arith.constant 0 : i32
      %dma_start3A_28 = tpu.memref_slice %arg7[%add3A, %dma_start3A] : memref<32x128xf32, #tpu.memory_space<hbm>> -> memref<1x128xf32, #tpu.memory_space<hbm>>
      %dma_start3A_29 = tpu.memref_squeeze %dma_start3A_28 : memref<1x128xf32, #tpu.memory_space<hbm>> -> memref<128xf32, #tpu.memory_space<hbm>>
      %dma_start3A_30 = arith.constant 0 : i32
      %dma_start3A_31 = tpu.memref_slice %arg7[%add3A, %dma_start3A_30] : memref<32x128xf32, #tpu.memory_space<hbm>> -> memref<1x128xf32, #tpu.memory_space<hbm>>
      %dma_start3A_32 = tpu.memref_squeeze %dma_start3A_31 : memref<1x128xf32, #tpu.memory_space<hbm>> -> memref<128xf32, #tpu.memory_space<hbm>>
      tpu.enqueue_dma source(%dma_start3A_32 : memref<128xf32, #tpu.memory_space<hbm>>) target(%arg17 : memref<128xf32, #tpu.memory_space<vmem>>) target_semaphore(%run_scoped3A : memref<!tpu.dma_semaphore, #tpu.memory_space<semaphore_mem>>)
      %dma_wait3A = arith.constant 0 : i32
      %dma_wait3A_33 = tpu.memref_slice %arg7[%add3A, %dma_wait3A] : memref<32x128xf32, #tpu.memory_space<hbm>> -> memref<1x128xf32, #tpu.memory_space<hbm>>
      %dma_wait3A_34 = tpu.memref_squeeze %dma_wait3A_33 : memref<1x128xf32, #tpu.memory_space<hbm>> -> memref<128xf32, #tpu.memory_space<hbm>>
      %dma_wait3A_35 = arith.constant 0 : i32
      %dma_wait3A_36 = tpu.memref_slice %arg7[%add3A, %dma_wait3A_35] : memref<32x128xf32, #tpu.memory_space<hbm>> -> memref<1x128xf32, #tpu.memory_space<hbm>>
      %dma_wait3A_37 = tpu.memref_squeeze %dma_wait3A_36 : memref<1x128xf32, #tpu.memory_space<hbm>> -> memref<128xf32, #tpu.memory_space<hbm>>
      tpu.wait_dma2 semaphore(%run_scoped3A : memref<!tpu.dma_semaphore, #tpu.memory_space<semaphore_mem>>) src(%dma_wait3A_37 : memref<128xf32, #tpu.memory_space<hbm>>) dst(%arg17 : memref<128xf32, #tpu.memory_space<vmem>>)
      tpu.yield
    }) : () -> ()
    %iota3A = tpu.iota {dimensions = array<i32: 0>} : vector<16xi32>
    %broadcast_in_dim3A = arith.constant 0 : i32
    %broadcast_in_dim3A_17 = vector.broadcast %broadcast_in_dim3A : i32 to vector<16xi32>
    %mul3A_18 = arith.constant 4096 : i32
    %mul3A_19 = arith.muli %select_n3A, %mul3A_18 : i32
    %mul3A_20 = arith.constant 128 : i32
    %mul3A_21 = arith.muli %add3A, %mul3A_20 : i32
    %scan3A = arith.constant 0 : i32
    %scan3A_22 = arith.constant 0 : i32
    %scan3A_23 = arith.constant 128 : i32
    %scan3A_24 = arith.addi %scan3A_22, %scan3A_23 : i32
    %scan3A_25 = arith.constant 1 : i32
    %scan3A_26 = scf.for %scan3A_28 = %scan3A_22 to %scan3A_24 step %scan3A_25 iter_args(%scan3A_29 = %scan3A) -> (i32)  : i32 {
      %broadcast_in_dim3A_30 = vector.broadcast %scan3A_28 : i32 to vector<16xi32>
      %gather3A = tpu.vector_load_idx %arg15[%broadcast_in_dim3A_30] : memref<128xf32, #tpu.memory_space<vmem>>[vector<16xi32>], vector<16xf32>,
      %gather3A_31 = tpu.vector_load_idx %arg16[%broadcast_in_dim3A_30] : memref<128xf32, #tpu.memory_space<vmem>>[vector<16xi32>], vector<16xf32>,
      %gather3A_32 = tpu.vector_load_idx %arg17[%broadcast_in_dim3A_30] : memref<128xf32, #tpu.memory_space<vmem>>[vector<16xi32>], vector<16xf32>,
      %while3A = arith.constant 0 : i32
      %while3A_33 = arith.constant 0 : i32
      %while3A_34 = arith.constant 0 : i32
      %while3A_35 = arith.constant 0 : i32
      %while3A_36:4 = scf.while (%while3A_239 = %while3A, %while3A_240 = %while3A_33, %while3A_241 = %while3A_34, %while3A_242 = %while3A_35) : (i32, i32, i32, i32) -> (i32, i32, i32, i32) {
        %lt3A_243 = arith.constant 4096 : i32
        %lt3A_244 = arith.cmpi slt, %while3A_239, %lt3A_243 : i32
        %lt3A_245 = arith.constant 16 : i32
        %lt3A_246 = arith.cmpi slt, %while3A_240, %lt3A_245 : i32
        %lt3A_247 = arith.constant 32 : i32
        %lt3A_248 = arith.cmpi slt, %while3A_241, %lt3A_247 : i32
        %or3A = arith.ori %lt3A_246, %lt3A_248 : i1
        %lt3A_249 = arith.constant 64 : i32
        %lt3A_250 = arith.cmpi slt, %while3A_242, %lt3A_249 : i32
        %or3A_251 = arith.ori %or3A, %lt3A_250 : i1
        %and3A_252 = arith.andi %lt3A_244, %or3A_251 : i1
        scf.condition(%and3A_252) %while3A_239, %while3A_240, %while3A_241, %while3A_242 : i32, i32, i32, i32
      } do {
      ^bb0(%while3A_239: i32, %while3A_240: i32, %while3A_241: i32, %while3A_242: i32):
        %add3A_243 = vector.broadcast %while3A_239 : i32 to vector<16xi32>
        %add3A_244 = arith.addi %iota3A, %add3A_243 : vector<16xi32>
        %gather3A_245 = tpu.vector_load_idx %arg12[%add3A_244] : memref<4096xf32, #tpu.memory_space<vmem>>[vector<16xi32>], vector<16xf32>,
        %gather3A_246 = tpu.vector_load_idx %arg13[%add3A_244] : memref<4096xf32, #tpu.memory_space<vmem>>[vector<16xi32>], vector<16xf32>,
        %gather3A_247 = tpu.vector_load_idx %arg14[%add3A_244] : memref<4096xf32, #tpu.memory_space<vmem>>[vector<16xi32>], vector<16xf32>,
        %sub3A_248 = arith.subf %gather3A_245, %gather3A : vector<16xf32>
        %sub3A_249 = arith.subf %gather3A_246, %gather3A_31 : vector<16xf32>
        %sub3A_250 = arith.subf %gather3A_247, %gather3A_32 : vector<16xf32>
        %mul3A_251 = arith.mulf %sub3A_248, %sub3A_248 : vector<16xf32>
        %mul3A_252 = arith.mulf %sub3A_249, %sub3A_249 : vector<16xf32>
        %add3A_253 = arith.addf %mul3A_251, %mul3A_252 : vector<16xf32>
        %mul3A_254 = arith.mulf %sub3A_250, %sub3A_250 : vector<16xf32>
        %add3A_255 = arith.addf %add3A_253, %mul3A_254 : vector<16xf32>
        %add3A_256 = vector.broadcast %mul3A_19 : i32 to vector<16xi32>
        %add3A_257 = arith.addi %add3A_244, %add3A_256 : vector<16xi32>
        %le3A = arith.constant 4.000000e-02 : f32
        %le3A_258 = vector.broadcast %le3A : f32 to vector<16xf32>
        %le3A_259 = arith.cmpf ole, %add3A_255, %le3A_258 : vector<16xf32>
        %convert_element_type3A = arith.extui %le3A_259 : vector<16xi1> to vector<16xi32>
        %broadcast_in_dim3A_260 = arith.constant true
        %broadcast_in_dim3A_261 = vector.broadcast %broadcast_in_dim3A_260 : i1 to vector<16xi1>
        %masked_cumsum3A = tpu.scan <sum>, %convert_element_type3A masked %broadcast_in_dim3A_261 : vector<16xi32>, vector<16xi1> -> vector<16xi32>
        %sub3A_262 = arith.constant 1 : i32
        %sub3A_263 = arith.subi %while3A_240, %sub3A_262 : i32
        %add3A_264 = vector.broadcast %sub3A_263 : i32 to vector<16xi32>
        %add3A_265 = arith.addi %masked_cumsum3A, %add3A_264 : vector<16xi32>
        %lt3A_266 = arith.constant 16 : i32
        %lt3A_267 = vector.broadcast %lt3A_266 : i32 to vector<16xi32>
        %lt3A_268 = arith.cmpi slt, %add3A_265, %lt3A_267 : vector<16xi32>
        %and3A_269 = arith.andi %le3A_259, %lt3A_268 : vector<16xi1>
        tpu.vector_store_idx %arg18[%add3A_265], %add3A_257 masked %and3A_269 : memref<16xi32, #tpu.memory_space<vmem>>[vector<16xi32>], vector<16xi32>, vector<16xi1>
        %slice3A = vector.extract_strided_slice %masked_cumsum3A {offsets = [15], sizes = [1], strides = [1]} : vector<16xi32> to vector<1xi32>
        %squeeze3A = vector.extract %slice3A[0] : i32 from vector<1xi32>
        %add3A_270 = arith.addi %while3A_240, %squeeze3A : i32
        %le3A_271 = arith.constant 1.600000e-01 : f32
        %le3A_272 = vector.broadcast %le3A_271 : f32 to vector<16xf32>
        %le3A_273 = arith.cmpf ole, %add3A_255, %le3A_272 : vector<16xf32>
        %convert_element_type3A_274 = arith.extui %le3A_273 : vector<16xi1> to vector<16xi32>
        %broadcast_in_dim3A_275 = arith.constant true
        %broadcast_in_dim3A_276 = vector.broadcast %broadcast_in_dim3A_275 : i1 to vector<16xi1>
        %masked_cumsum3A_277 = tpu.scan <sum>, %convert_element_type3A_274 masked %broadcast_in_dim3A_276 : vector<16xi32>, vector<16xi1> -> vector<16xi32>
        %sub3A_278 = arith.constant 1 : i32
        %sub3A_279 = arith.subi %while3A_241, %sub3A_278 : i32
        %add3A_280 = vector.broadcast %sub3A_279 : i32 to vector<16xi32>
        %add3A_281 = arith.addi %masked_cumsum3A_277, %add3A_280 : vector<16xi32>
        %lt3A_282 = arith.constant 32 : i32
        %lt3A_283 = vector.broadcast %lt3A_282 : i32 to vector<16xi32>
        %lt3A_284 = arith.cmpi slt, %add3A_281, %lt3A_283 : vector<16xi32>
        %and3A_285 = arith.andi %le3A_273, %lt3A_284 : vector<16xi1>
        tpu.vector_store_idx %arg19[%add3A_281], %add3A_257 masked %and3A_285 : memref<32xi32, #tpu.memory_space<vmem>>[vector<16xi32>], vector<16xi32>, vector<16xi1>
        %slice3A_286 = vector.extract_strided_slice %masked_cumsum3A_277 {offsets = [15], sizes = [1], strides = [1]} : vector<16xi32> to vector<1xi32>
        %squeeze3A_287 = vector.extract %slice3A_286[0] : i32 from vector<1xi32>
        %add3A_288 = arith.addi %while3A_241, %squeeze3A_287 : i32
        %le3A_289 = arith.constant 6.400000e-01 : f32
        %le3A_290 = vector.broadcast %le3A_289 : f32 to vector<16xf32>
        %le3A_291 = arith.cmpf ole, %add3A_255, %le3A_290 : vector<16xf32>
        %convert_element_type3A_292 = arith.extui %le3A_291 : vector<16xi1> to vector<16xi32>
        %broadcast_in_dim3A_293 = arith.constant true
        %broadcast_in_dim3A_294 = vector.broadcast %broadcast_in_dim3A_293 : i1 to vector<16xi1>
        %masked_cumsum3A_295 = tpu.scan <sum>, %convert_element_type3A_292 masked %broadcast_in_dim3A_294 : vector<16xi32>, vector<16xi1> -> vector<16xi32>
        %sub3A_296 = arith.constant 1 : i32
        %sub3A_297 = arith.subi %while3A_242, %sub3A_296 : i32
        %add3A_298 = vector.broadcast %sub3A_297 : i32 to vector<16xi32>
        %add3A_299 = arith.addi %masked_cumsum3A_295, %add3A_298 : vector<16xi32>
        %lt3A_300 = arith.constant 64 : i32
        %lt3A_301 = vector.broadcast %lt3A_300 : i32 to vector<16xi32>
        %lt3A_302 = arith.cmpi slt, %add3A_299, %lt3A_301 : vector<16xi32>
        %and3A_303 = arith.andi %le3A_291, %lt3A_302 : vector<16xi1>
        tpu.vector_store_idx %arg20[%add3A_299], %add3A_257 masked %and3A_303 : memref<64xi32, #tpu.memory_space<vmem>>[vector<16xi32>], vector<16xi32>, vector<16xi1>
        %slice3A_304 = vector.extract_strided_slice %masked_cumsum3A_295 {offsets = [15], sizes = [1], strides = [1]} : vector<16xi32> to vector<1xi32>
        %squeeze3A_305 = vector.extract %slice3A_304[0] : i32 from vector<1xi32>
        %add3A_306 = arith.addi %while3A_242, %squeeze3A_305 : i32
        %add3A_307 = arith.constant 16 : i32
        %add3A_308 = arith.addi %while3A_239, %add3A_307 : i32
        scf.yield %add3A_308, %add3A_270, %add3A_288, %add3A_306 : i32, i32, i32, i32
      }
      %gather3A_37 = tpu.vector_load_idx %arg18[%broadcast_in_dim3A_17] : memref<16xi32, #tpu.memory_space<vmem>>[vector<16xi32>], vector<16xi32>,
      %add3A_38 = arith.constant 0 : i32
      %add3A_39 = vector.broadcast %add3A_38 : i32 to vector<16xi32>
      %add3A_40 = arith.addi %iota3A, %add3A_39 : vector<16xi32>
      %get3A = arith.constant 0 : index
      %get3A_41 = tpu.vector_load %arg18[%get3A] {strides = array<i32>} : memref<16xi32, #tpu.memory_space<vmem>>, vector<16xi32>,
      %lt3A = vector.broadcast %while3A_36#1 : i32 to vector<16xi32>
      %lt3A_42 = arith.cmpi slt, %add3A_40, %lt3A : vector<16xi32>
      %select_n3A_43 = arith.select %lt3A_42, %get3A_41, %gather3A_37 : vector<16xi1>, vector<16xi32>
      %swap3A = arith.constant 0 : index
      %swap3A_44 = tpu.vector_load %arg18[%swap3A] {strides = array<i32>} : memref<16xi32, #tpu.memory_space<vmem>>, vector<16xi32>,
      tpu.vector_store %arg18[%swap3A], %select_n3A_43 {strides = array<i32>} : memref<16xi32, #tpu.memory_space<vmem>>, vector<16xi32>,
      %gather3A_45 = tpu.vector_load_idx %arg19[%broadcast_in_dim3A_17] : memref<32xi32, #tpu.memory_space<vmem>>[vector<16xi32>], vector<16xi32>,
      %add3A_46 = arith.constant 0 : i32
      %add3A_47 = vector.broadcast %add3A_46 : i32 to vector<16xi32>
      %add3A_48 = arith.addi %iota3A, %add3A_47 : vector<16xi32>
      %get3A_49 = arith.constant 0 : index
      %get3A_50 = tpu.vector_load %arg19[%get3A_49] {strides = array<i32>} : memref<32xi32, #tpu.memory_space<vmem>>, vector<16xi32>,
      %lt3A_51 = vector.broadcast %while3A_36#2 : i32 to vector<16xi32>
      %lt3A_52 = arith.cmpi slt, %add3A_48, %lt3A_51 : vector<16xi32>
      %select_n3A_53 = arith.select %lt3A_52, %get3A_50, %gather3A_45 : vector<16xi1>, vector<16xi32>
      %swap3A_54 = arith.constant 0 : index
      %swap3A_55 = tpu.vector_load %arg19[%swap3A_54] {strides = array<i32>} : memref<32xi32, #tpu.memory_space<vmem>>, vector<16xi32>,
      tpu.vector_store %arg19[%swap3A_54], %select_n3A_53 {strides = array<i32>} : memref<32xi32, #tpu.memory_space<vmem>>, vector<16xi32>,
      %add3A_56 = arith.constant 16 : i32
      %add3A_57 = vector.broadcast %add3A_56 : i32 to vector<16xi32>
      %add3A_58 = arith.addi %iota3A, %add3A_57 : vector<16xi32>
      %get3A_59 = arith.constant 16 : index
      %get3A_60 = tpu.vector_load %arg19[%get3A_59] {strides = array<i32>} : memref<32xi32, #tpu.memory_space<vmem>>, vector<16xi32>,
      %lt3A_61 = vector.broadcast %while3A_36#2 : i32 to vector<16xi32>
      %lt3A_62 = arith.cmpi slt, %add3A_58, %lt3A_61 : vector<16xi32>
      %select_n3A_63 = arith.select %lt3A_62, %get3A_60, %gather3A_45 : vector<16xi1>, vector<16xi32>
      %swap3A_64 = arith.constant 16 : index
      %swap3A_65 = tpu.vector_load %arg19[%swap3A_64] {strides = array<i32>} : memref<32xi32, #tpu.memory_space<vmem>>, vector<16xi32>,
      tpu.vector_store %arg19[%swap3A_64], %select_n3A_63 {strides = array<i32>} : memref<32xi32, #tpu.memory_space<vmem>>, vector<16xi32>,
      %gather3A_66 = tpu.vector_load_idx %arg20[%broadcast_in_dim3A_17] : memref<64xi32, #tpu.memory_space<vmem>>[vector<16xi32>], vector<16xi32>,
      %add3A_67 = arith.constant 0 : i32
      %add3A_68 = vector.broadcast %add3A_67 : i32 to vector<16xi32>
      %add3A_69 = arith.addi %iota3A, %add3A_68 : vector<16xi32>
      %get3A_70 = arith.constant 0 : index
      %get3A_71 = tpu.vector_load %arg20[%get3A_70] {strides = array<i32>} : memref<64xi32, #tpu.memory_space<vmem>>, vector<16xi32>,
      %lt3A_72 = vector.broadcast %while3A_36#3 : i32 to vector<16xi32>
      %lt3A_73 = arith.cmpi slt, %add3A_69, %lt3A_72 : vector<16xi32>
      %select_n3A_74 = arith.select %lt3A_73, %get3A_71, %gather3A_66 : vector<16xi1>, vector<16xi32>
      %swap3A_75 = arith.constant 0 : index
      %swap3A_76 = tpu.vector_load %arg20[%swap3A_75] {strides = array<i32>} : memref<64xi32, #tpu.memory_space<vmem>>, vector<16xi32>,
      tpu.vector_store %arg20[%swap3A_75], %select_n3A_74 {strides = array<i32>} : memref<64xi32, #tpu.memory_space<vmem>>, vector<16xi32>,
      %add3A_77 = arith.constant 16 : i32
      %add3A_78 = vector.broadcast %add3A_77 : i32 to vector<16xi32>
      %add3A_79 = arith.addi %iota3A, %add3A_78 : vector<16xi32>
      %get3A_80 = arith.constant 16 : index
      %get3A_81 = tpu.vector_load %arg20[%get3A_80] {strides = array<i32>} : memref<64xi32, #tpu.memory_space<vmem>>, vector<16xi32>,
      %lt3A_82 = vector.broadcast %while3A_36#3 : i32 to vector<16xi32>
      %lt3A_83 = arith.cmpi slt, %add3A_79, %lt3A_82 : vector<16xi32>
      %select_n3A_84 = arith.select %lt3A_83, %get3A_81, %gather3A_66 : vector<16xi1>, vector<16xi32>
      %swap3A_85 = arith.constant 16 : index
      %swap3A_86 = tpu.vector_load %arg20[%swap3A_85] {strides = array<i32>} : memref<64xi32, #tpu.memory_space<vmem>>, vector<16xi32>,
      tpu.vector_store %arg20[%swap3A_85], %select_n3A_84 {strides = array<i32>} : memref<64xi32, #tpu.memory_space<vmem>>, vector<16xi32>,
      %add3A_87 = arith.constant 32 : i32
      %add3A_88 = vector.broadcast %add3A_87 : i32 to vector<16xi32>
      %add3A_89 = arith.addi %iota3A, %add3A_88 : vector<16xi32>
      %get3A_90 = arith.constant 32 : index
      %get3A_91 = tpu.vector_load %arg20[%get3A_90] {strides = array<i32>} : memref<64xi32, #tpu.memory_space<vmem>>, vector<16xi32>,
      %lt3A_92 = vector.broadcast %while3A_36#3 : i32 to vector<16xi32>
      %lt3A_93 = arith.cmpi slt, %add3A_89, %lt3A_92 : vector<16xi32>
      %select_n3A_94 = arith.select %lt3A_93, %get3A_91, %gather3A_66 : vector<16xi1>, vector<16xi32>
      %swap3A_95 = arith.constant 32 : index
      %swap3A_96 = tpu.vector_load %arg20[%swap3A_95] {strides = array<i32>} : memref<64xi32, #tpu.memory_space<vmem>>, vector<16xi32>,
      tpu.vector_store %arg20[%swap3A_95], %select_n3A_94 {strides = array<i32>} : memref<64xi32, #tpu.memory_space<vmem>>, vector<16xi32>,
      %add3A_97 = arith.constant 48 : i32
      %add3A_98 = vector.broadcast %add3A_97 : i32 to vector<16xi32>
      %add3A_99 = arith.addi %iota3A, %add3A_98 : vector<16xi32>
      %get3A_100 = arith.constant 48 : index
      %get3A_101 = tpu.vector_load %arg20[%get3A_100] {strides = array<i32>} : memref<64xi32, #tpu.memory_space<vmem>>, vector<16xi32>,
      %lt3A_102 = vector.broadcast %while3A_36#3 : i32 to vector<16xi32>
      %lt3A_103 = arith.cmpi slt, %add3A_99, %lt3A_102 : vector<16xi32>
      %select_n3A_104 = arith.select %lt3A_103, %get3A_101, %gather3A_66 : vector<16xi1>, vector<16xi32>
      %swap3A_105 = arith.constant 48 : index
      %swap3A_106 = tpu.vector_load %arg20[%swap3A_105] {strides = array<i32>} : memref<64xi32, #tpu.memory_space<vmem>>, vector<16xi32>,
      tpu.vector_store %arg20[%swap3A_105], %select_n3A_104 {strides = array<i32>} : memref<64xi32, #tpu.memory_space<vmem>>, vector<16xi32>,
      %dma_start3A = arith.constant 0 : i32
      %dma_start3A_107 = arith.constant 0 : i32
      %dma_start3A_108 = tpu.memref_slice %arg8[%dma_start3A, %dma_start3A_107] : memref<16384x128xf32, #tpu.memory_space<hbm>> -> memref<16384x128xf32, #tpu.memory_space<hbm>>
      tpu.enqueue_indirect_dma source(%dma_start3A_108 : memref<16384x128xf32, #tpu.memory_space<hbm>>) target(%arg21 : memref<16x128xf32, #tpu.memory_space<vmem>>) offsets(%arg18 : memref<16xi32, #tpu.memory_space<vmem>>) semaphore(%arg25 : memref<!tpu.dma_semaphore, #tpu.memory_space<semaphore_mem>>)
      %dma_start3A_109 = arith.constant 0 : i32
      %dma_start3A_110 = arith.constant 0 : i32
      %dma_start3A_111 = tpu.memref_slice %arg9[%dma_start3A_109, %dma_start3A_110] : memref<16384x128xf32, #tpu.memory_space<hbm>> -> memref<16384x128xf32, #tpu.memory_space<hbm>>
      tpu.enqueue_indirect_dma source(%dma_start3A_111 : memref<16384x128xf32, #tpu.memory_space<hbm>>) target(%arg22 : memref<32x128xf32, #tpu.memory_space<vmem>>) offsets(%arg19 : memref<32xi32, #tpu.memory_space<vmem>>) semaphore(%arg26 : memref<!tpu.dma_semaphore, #tpu.memory_space<semaphore_mem>>)
      %dma_start3A_112 = arith.constant 0 : i32
      %dma_start3A_113 = arith.constant 0 : i32
      %dma_start3A_114 = tpu.memref_slice %arg10[%dma_start3A_112, %dma_start3A_113] : memref<16384x128xf32, #tpu.memory_space<hbm>> -> memref<16384x128xf32, #tpu.memory_space<hbm>>
      tpu.enqueue_indirect_dma source(%dma_start3A_114 : memref<16384x128xf32, #tpu.memory_space<hbm>>) target(%arg23 : memref<64x128xf32, #tpu.memory_space<vmem>>) offsets(%arg20 : memref<64xi32, #tpu.memory_space<vmem>>) semaphore(%arg27 : memref<!tpu.dma_semaphore, #tpu.memory_space<semaphore_mem>>)
      %dma_wait3A = arith.constant 0 : i32
      %dma_wait3A_115 = arith.constant 0 : i32
      %dma_wait3A_116 = tpu.memref_slice %arg8[%dma_wait3A, %dma_wait3A_115] : memref<16384x128xf32, #tpu.memory_space<hbm>> -> memref<16384x128xf32, #tpu.memory_space<hbm>>
      tpu.wait_indirect_dma semaphore(%arg25 : memref<!tpu.dma_semaphore, #tpu.memory_space<semaphore_mem>>) src(%dma_wait3A_116 : memref<16384x128xf32, #tpu.memory_space<hbm>>) dst(%arg21 : memref<16x128xf32, #tpu.memory_space<vmem>>)
      %broadcast_in_dim3A_117 = arith.constant 0xFF800000 : f32
      %broadcast_in_dim3A_118 = vector.broadcast %broadcast_in_dim3A_117 : f32 to vector<16xf32>
      %broadcast_in_dim3A_119 = arith.constant 0xFF800000 : f32
      %broadcast_in_dim3A_120 = vector.broadcast %broadcast_in_dim3A_119 : f32 to vector<16xf32>
      %broadcast_in_dim3A_121 = arith.constant 0xFF800000 : f32
      %broadcast_in_dim3A_122 = vector.broadcast %broadcast_in_dim3A_121 : f32 to vector<16xf32>
      %broadcast_in_dim3A_123 = arith.constant 0xFF800000 : f32
      %broadcast_in_dim3A_124 = vector.broadcast %broadcast_in_dim3A_123 : f32 to vector<16xf32>
      %broadcast_in_dim3A_125 = arith.constant 0xFF800000 : f32
      %broadcast_in_dim3A_126 = vector.broadcast %broadcast_in_dim3A_125 : f32 to vector<16xf32>
      %broadcast_in_dim3A_127 = arith.constant 0xFF800000 : f32
      %broadcast_in_dim3A_128 = vector.broadcast %broadcast_in_dim3A_127 : f32 to vector<16xf32>
      %broadcast_in_dim3A_129 = arith.constant 0xFF800000 : f32
      %broadcast_in_dim3A_130 = vector.broadcast %broadcast_in_dim3A_129 : f32 to vector<16xf32>
      %broadcast_in_dim3A_131 = arith.constant 0xFF800000 : f32
      %broadcast_in_dim3A_132 = vector.broadcast %broadcast_in_dim3A_131 : f32 to vector<16xf32>
      %scan3A_133 = arith.constant 0 : i32
      %scan3A_134 = arith.constant 16 : i32
      %scan3A_135 = arith.addi %scan3A_133, %scan3A_134 : i32
      %scan3A_136 = arith.constant 1 : i32
      %scan3A_137:8 = scf.for %scan3A_239 = %scan3A_133 to %scan3A_135 step %scan3A_136 iter_args(%scan3A_240 = %broadcast_in_dim3A_118, %scan3A_241 = %broadcast_in_dim3A_120, %scan3A_242 = %broadcast_in_dim3A_122, %scan3A_243 = %broadcast_in_dim3A_124, %scan3A_244 = %broadcast_in_dim3A_126, %scan3A_245 = %broadcast_in_dim3A_128, %scan3A_246 = %broadcast_in_dim3A_130, %scan3A_247 = %broadcast_in_dim3A_132) -> (vector<16xf32>, vector<16xf32>, vector<16xf32>, vector<16xf32>, vector<16xf32>, vector<16xf32>, vector<16xf32>, vector<16xf32>)  : i32 {
        %get3A_248 = arith.index_cast %scan3A_239 : i32 to index
        %get3A_249 = arith.constant 0 : index
        %get3A_250 = tpu.vector_load %arg21[%get3A_248, %get3A_249] {strides = array<i32>} : memref<16x128xf32, #tpu.memory_space<vmem>>, vector<16xf32>,
        %max3A = arith.maximumf %scan3A_240, %get3A_250 : vector<16xf32>
        %get3A_251 = arith.index_cast %scan3A_239 : i32 to index
        %get3A_252 = arith.constant 16 : index
        %get3A_253 = tpu.vector_load %arg21[%get3A_251, %get3A_252] {strides = array<i32>} : memref<16x128xf32, #tpu.memory_space<vmem>>, vector<16xf32>,
        %max3A_254 = arith.maximumf %scan3A_241, %get3A_253 : vector<16xf32>
        %get3A_255 = arith.index_cast %scan3A_239 : i32 to index
        %get3A_256 = arith.constant 32 : index
        %get3A_257 = tpu.vector_load %arg21[%get3A_255, %get3A_256] {strides = array<i32>} : memref<16x128xf32, #tpu.memory_space<vmem>>, vector<16xf32>,
        %max3A_258 = arith.maximumf %scan3A_242, %get3A_257 : vector<16xf32>
        %get3A_259 = arith.index_cast %scan3A_239 : i32 to index
        %get3A_260 = arith.constant 48 : index
        %get3A_261 = tpu.vector_load %arg21[%get3A_259, %get3A_260] {strides = array<i32>} : memref<16x128xf32, #tpu.memory_space<vmem>>, vector<16xf32>,
        %max3A_262 = arith.maximumf %scan3A_243, %get3A_261 : vector<16xf32>
        %get3A_263 = arith.index_cast %scan3A_239 : i32 to index
        %get3A_264 = arith.constant 64 : index
        %get3A_265 = tpu.vector_load %arg21[%get3A_263, %get3A_264] {strides = array<i32>} : memref<16x128xf32, #tpu.memory_space<vmem>>, vector<16xf32>,
        %max3A_266 = arith.maximumf %scan3A_244, %get3A_265 : vector<16xf32>
        %get3A_267 = arith.index_cast %scan3A_239 : i32 to index
        %get3A_268 = arith.constant 80 : index
        %get3A_269 = tpu.vector_load %arg21[%get3A_267, %get3A_268] {strides = array<i32>} : memref<16x128xf32, #tpu.memory_space<vmem>>, vector<16xf32>,
        %max3A_270 = arith.maximumf %scan3A_245, %get3A_269 : vector<16xf32>
        %get3A_271 = arith.index_cast %scan3A_239 : i32 to index
        %get3A_272 = arith.constant 96 : index
        %get3A_273 = tpu.vector_load %arg21[%get3A_271, %get3A_272] {strides = array<i32>} : memref<16x128xf32, #tpu.memory_space<vmem>>, vector<16xf32>,
        %max3A_274 = arith.maximumf %scan3A_246, %get3A_273 : vector<16xf32>
        %get3A_275 = arith.index_cast %scan3A_239 : i32 to index
        %get3A_276 = arith.constant 112 : index
        %get3A_277 = tpu.vector_load %arg21[%get3A_275, %get3A_276] {strides = array<i32>} : memref<16x128xf32, #tpu.memory_space<vmem>>, vector<16xf32>,
        %max3A_278 = arith.maximumf %scan3A_247, %get3A_277 : vector<16xf32>
        scf.yield %max3A, %max3A_254, %max3A_258, %max3A_262, %max3A_266, %max3A_270, %max3A_274, %max3A_278 : vector<16xf32>, vector<16xf32>, vector<16xf32>, vector<16xf32>, vector<16xf32>, vector<16xf32>, vector<16xf32>, vector<16xf32>
      }
      %scan3A_138 = arith.constant 16 : i32
      %swap3A_139 = arith.constant 0 : index
      %swap3A_140 = tpu.vector_load %arg24[%swap3A_139] {strides = array<i32>} : memref<384xf32, #tpu.memory_space<vmem>>, vector<16xf32>,
      tpu.vector_store %arg24[%swap3A_139], %scan3A_137#0 {strides = array<i32>} : memref<384xf32, #tpu.memory_space<vmem>>, vector<16xf32>,
      %swap3A_141 = arith.constant 16 : index
      %swap3A_142 = tpu.vector_load %arg24[%swap3A_141] {strides = array<i32>} : memref<384xf32, #tpu.memory_space<vmem>>, vector<16xf32>,
      tpu.vector_store %arg24[%swap3A_141], %scan3A_137#1 {strides = array<i32>} : memref<384xf32, #tpu.memory_space<vmem>>, vector<16xf32>,
      %swap3A_143 = arith.constant 32 : index
      %swap3A_144 = tpu.vector_load %arg24[%swap3A_143] {strides = array<i32>} : memref<384xf32, #tpu.memory_space<vmem>>, vector<16xf32>,
      tpu.vector_store %arg24[%swap3A_143], %scan3A_137#2 {strides = array<i32>} : memref<384xf32, #tpu.memory_space<vmem>>, vector<16xf32>,
      %swap3A_145 = arith.constant 48 : index
      %swap3A_146 = tpu.vector_load %arg24[%swap3A_145] {strides = array<i32>} : memref<384xf32, #tpu.memory_space<vmem>>, vector<16xf32>,
      tpu.vector_store %arg24[%swap3A_145], %scan3A_137#3 {strides = array<i32>} : memref<384xf32, #tpu.memory_space<vmem>>, vector<16xf32>,
      %swap3A_147 = arith.constant 64 : index
      %swap3A_148 = tpu.vector_load %arg24[%swap3A_147] {strides = array<i32>} : memref<384xf32, #tpu.memory_space<vmem>>, vector<16xf32>,
      tpu.vector_store %arg24[%swap3A_147], %scan3A_137#4 {strides = array<i32>} : memref<384xf32, #tpu.memory_space<vmem>>, vector<16xf32>,
      %swap3A_149 = arith.constant 80 : index
      %swap3A_150 = tpu.vector_load %arg24[%swap3A_149] {strides = array<i32>} : memref<384xf32, #tpu.memory_space<vmem>>, vector<16xf32>,
      tpu.vector_store %arg24[%swap3A_149], %scan3A_137#5 {strides = array<i32>} : memref<384xf32, #tpu.memory_space<vmem>>, vector<16xf32>,
      %swap3A_151 = arith.constant 96 : index
      %swap3A_152 = tpu.vector_load %arg24[%swap3A_151] {strides = array<i32>} : memref<384xf32, #tpu.memory_space<vmem>>, vector<16xf32>,
      tpu.vector_store %arg24[%swap3A_151], %scan3A_137#6 {strides = array<i32>} : memref<384xf32, #tpu.memory_space<vmem>>, vector<16xf32>,
      %swap3A_153 = arith.constant 112 : index
      %swap3A_154 = tpu.vector_load %arg24[%swap3A_153] {strides = array<i32>} : memref<384xf32, #tpu.memory_space<vmem>>, vector<16xf32>,
      tpu.vector_store %arg24[%swap3A_153], %scan3A_137#7 {strides = array<i32>} : memref<384xf32, #tpu.memory_space<vmem>>, vector<16xf32>,
      %dma_wait3A_155 = arith.constant 0 : i32
      %dma_wait3A_156 = arith.constant 0 : i32
      %dma_wait3A_157 = tpu.memref_slice %arg9[%dma_wait3A_155, %dma_wait3A_156] : memref<16384x128xf32, #tpu.memory_space<hbm>> -> memref<16384x128xf32, #tpu.memory_space<hbm>>
      tpu.wait_indirect_dma semaphore(%arg26 : memref<!tpu.dma_semaphore, #tpu.memory_space<semaphore_mem>>) src(%dma_wait3A_157 : memref<16384x128xf32, #tpu.memory_space<hbm>>) dst(%arg22 : memref<32x128xf32, #tpu.memory_space<vmem>>)
      %broadcast_in_dim3A_158 = arith.constant 0xFF800000 : f32
      %broadcast_in_dim3A_159 = vector.broadcast %broadcast_in_dim3A_158 : f32 to vector<16xf32>
      %broadcast_in_dim3A_160 = arith.constant 0xFF800000 : f32
      %broadcast_in_dim3A_161 = vector.broadcast %broadcast_in_dim3A_160 : f32 to vector<16xf32>
      %broadcast_in_dim3A_162 = arith.constant 0xFF800000 : f32
      %broadcast_in_dim3A_163 = vector.broadcast %broadcast_in_dim3A_162 : f32 to vector<16xf32>
      %broadcast_in_dim3A_164 = arith.constant 0xFF800000 : f32
      %broadcast_in_dim3A_165 = vector.broadcast %broadcast_in_dim3A_164 : f32 to vector<16xf32>
      %broadcast_in_dim3A_166 = arith.constant 0xFF800000 : f32
      %broadcast_in_dim3A_167 = vector.broadcast %broadcast_in_dim3A_166 : f32 to vector<16xf32>
      %broadcast_in_dim3A_168 = arith.constant 0xFF800000 : f32
      %broadcast_in_dim3A_169 = vector.broadcast %broadcast_in_dim3A_168 : f32 to vector<16xf32>
      %broadcast_in_dim3A_170 = arith.constant 0xFF800000 : f32
      %broadcast_in_dim3A_171 = vector.broadcast %broadcast_in_dim3A_170 : f32 to vector<16xf32>
      %broadcast_in_dim3A_172 = arith.constant 0xFF800000 : f32
      %broadcast_in_dim3A_173 = vector.broadcast %broadcast_in_dim3A_172 : f32 to vector<16xf32>
      %scan3A_174 = arith.constant 0 : i32
      %scan3A_175 = arith.constant 32 : i32
      %scan3A_176 = arith.addi %scan3A_174, %scan3A_175 : i32
      %scan3A_177 = arith.constant 1 : i32
      %scan3A_178:8 = scf.for %scan3A_239 = %scan3A_174 to %scan3A_176 step %scan3A_177 iter_args(%scan3A_240 = %broadcast_in_dim3A_159, %scan3A_241 = %broadcast_in_dim3A_161, %scan3A_242 = %broadcast_in_dim3A_163, %scan3A_243 = %broadcast_in_dim3A_165, %scan3A_244 = %broadcast_in_dim3A_167, %scan3A_245 = %broadcast_in_dim3A_169, %scan3A_246 = %broadcast_in_dim3A_171, %scan3A_247 = %broadcast_in_dim3A_173) -> (vector<16xf32>, vector<16xf32>, vector<16xf32>, vector<16xf32>, vector<16xf32>, vector<16xf32>, vector<16xf32>, vector<16xf32>)  : i32 {
        %get3A_248 = arith.index_cast %scan3A_239 : i32 to index
        %get3A_249 = arith.constant 0 : index
        %get3A_250 = tpu.vector_load %arg22[%get3A_248, %get3A_249] {strides = array<i32>} : memref<32x128xf32, #tpu.memory_space<vmem>>, vector<16xf32>,
        %max3A = arith.maximumf %scan3A_240, %get3A_250 : vector<16xf32>
        %get3A_251 = arith.index_cast %scan3A_239 : i32 to index
        %get3A_252 = arith.constant 16 : index
        %get3A_253 = tpu.vector_load %arg22[%get3A_251, %get3A_252] {strides = array<i32>} : memref<32x128xf32, #tpu.memory_space<vmem>>, vector<16xf32>,
        %max3A_254 = arith.maximumf %scan3A_241, %get3A_253 : vector<16xf32>
        %get3A_255 = arith.index_cast %scan3A_239 : i32 to index
        %get3A_256 = arith.constant 32 : index
        %get3A_257 = tpu.vector_load %arg22[%get3A_255, %get3A_256] {strides = array<i32>} : memref<32x128xf32, #tpu.memory_space<vmem>>, vector<16xf32>,
        %max3A_258 = arith.maximumf %scan3A_242, %get3A_257 : vector<16xf32>
        %get3A_259 = arith.index_cast %scan3A_239 : i32 to index
        %get3A_260 = arith.constant 48 : index
        %get3A_261 = tpu.vector_load %arg22[%get3A_259, %get3A_260] {strides = array<i32>} : memref<32x128xf32, #tpu.memory_space<vmem>>, vector<16xf32>,
        %max3A_262 = arith.maximumf %scan3A_243, %get3A_261 : vector<16xf32>
        %get3A_263 = arith.index_cast %scan3A_239 : i32 to index
        %get3A_264 = arith.constant 64 : index
        %get3A_265 = tpu.vector_load %arg22[%get3A_263, %get3A_264] {strides = array<i32>} : memref<32x128xf32, #tpu.memory_space<vmem>>, vector<16xf32>,
        %max3A_266 = arith.maximumf %scan3A_244, %get3A_265 : vector<16xf32>
        %get3A_267 = arith.index_cast %scan3A_239 : i32 to index
        %get3A_268 = arith.constant 80 : index
        %get3A_269 = tpu.vector_load %arg22[%get3A_267, %get3A_268] {strides = array<i32>} : memref<32x128xf32, #tpu.memory_space<vmem>>, vector<16xf32>,
        %max3A_270 = arith.maximumf %scan3A_245, %get3A_269 : vector<16xf32>
        %get3A_271 = arith.index_cast %scan3A_239 : i32 to index
        %get3A_272 = arith.constant 96 : index
        %get3A_273 = tpu.vector_load %arg22[%get3A_271, %get3A_272] {strides = array<i32>} : memref<32x128xf32, #tpu.memory_space<vmem>>, vector<16xf32>,
        %max3A_274 = arith.maximumf %scan3A_246, %get3A_273 : vector<16xf32>
        %get3A_275 = arith.index_cast %scan3A_239 : i32 to index
        %get3A_276 = arith.constant 112 : index
        %get3A_277 = tpu.vector_load %arg22[%get3A_275, %get3A_276] {strides = array<i32>} : memref<32x128xf32, #tpu.memory_space<vmem>>, vector<16xf32>,
        %max3A_278 = arith.maximumf %scan3A_247, %get3A_277 : vector<16xf32>
        scf.yield %max3A, %max3A_254, %max3A_258, %max3A_262, %max3A_266, %max3A_270, %max3A_274, %max3A_278 : vector<16xf32>, vector<16xf32>, vector<16xf32>, vector<16xf32>, vector<16xf32>, vector<16xf32>, vector<16xf32>, vector<16xf32>
      }
      %scan3A_179 = arith.constant 32 : i32
      %swap3A_180 = arith.constant 128 : index
      %swap3A_181 = tpu.vector_load %arg24[%swap3A_180] {strides = array<i32>} : memref<384xf32, #tpu.memory_space<vmem>>, vector<16xf32>,
      tpu.vector_store %arg24[%swap3A_180], %scan3A_178#0 {strides = array<i32>} : memref<384xf32, #tpu.memory_space<vmem>>, vector<16xf32>,
      %swap3A_182 = arith.constant 144 : index
      %swap3A_183 = tpu.vector_load %arg24[%swap3A_182] {strides = array<i32>} : memref<384xf32, #tpu.memory_space<vmem>>, vector<16xf32>,
      tpu.vector_store %arg24[%swap3A_182], %scan3A_178#1 {strides = array<i32>} : memref<384xf32, #tpu.memory_space<vmem>>, vector<16xf32>,
      %swap3A_184 = arith.constant 160 : index
      %swap3A_185 = tpu.vector_load %arg24[%swap3A_184] {strides = array<i32>} : memref<384xf32, #tpu.memory_space<vmem>>, vector<16xf32>,
      tpu.vector_store %arg24[%swap3A_184], %scan3A_178#2 {strides = array<i32>} : memref<384xf32, #tpu.memory_space<vmem>>, vector<16xf32>,
      %swap3A_186 = arith.constant 176 : index
      %swap3A_187 = tpu.vector_load %arg24[%swap3A_186] {strides = array<i32>} : memref<384xf32, #tpu.memory_space<vmem>>, vector<16xf32>,
      tpu.vector_store %arg24[%swap3A_186], %scan3A_178#3 {strides = array<i32>} : memref<384xf32, #tpu.memory_space<vmem>>, vector<16xf32>,
      %swap3A_188 = arith.constant 192 : index
      %swap3A_189 = tpu.vector_load %arg24[%swap3A_188] {strides = array<i32>} : memref<384xf32, #tpu.memory_space<vmem>>, vector<16xf32>,
      tpu.vector_store %arg24[%swap3A_188], %scan3A_178#4 {strides = array<i32>} : memref<384xf32, #tpu.memory_space<vmem>>, vector<16xf32>,
      %swap3A_190 = arith.constant 208 : index
      %swap3A_191 = tpu.vector_load %arg24[%swap3A_190] {strides = array<i32>} : memref<384xf32, #tpu.memory_space<vmem>>, vector<16xf32>,
      tpu.vector_store %arg24[%swap3A_190], %scan3A_178#5 {strides = array<i32>} : memref<384xf32, #tpu.memory_space<vmem>>, vector<16xf32>,
      %swap3A_192 = arith.constant 224 : index
      %swap3A_193 = tpu.vector_load %arg24[%swap3A_192] {strides = array<i32>} : memref<384xf32, #tpu.memory_space<vmem>>, vector<16xf32>,
      tpu.vector_store %arg24[%swap3A_192], %scan3A_178#6 {strides = array<i32>} : memref<384xf32, #tpu.memory_space<vmem>>, vector<16xf32>,
      %swap3A_194 = arith.constant 240 : index
      %swap3A_195 = tpu.vector_load %arg24[%swap3A_194] {strides = array<i32>} : memref<384xf32, #tpu.memory_space<vmem>>, vector<16xf32>,
      tpu.vector_store %arg24[%swap3A_194], %scan3A_178#7 {strides = array<i32>} : memref<384xf32, #tpu.memory_space<vmem>>, vector<16xf32>,
      %dma_wait3A_196 = arith.constant 0 : i32
      %dma_wait3A_197 = arith.constant 0 : i32
      %dma_wait3A_198 = tpu.memref_slice %arg10[%dma_wait3A_196, %dma_wait3A_197] : memref<16384x128xf32, #tpu.memory_space<hbm>> -> memref<16384x128xf32, #tpu.memory_space<hbm>>
      tpu.wait_indirect_dma semaphore(%arg27 : memref<!tpu.dma_semaphore, #tpu.memory_space<semaphore_mem>>) src(%dma_wait3A_198 : memref<16384x128xf32, #tpu.memory_space<hbm>>) dst(%arg23 : memref<64x128xf32, #tpu.memory_space<vmem>>)
      %broadcast_in_dim3A_199 = arith.constant 0xFF800000 : f32
      %broadcast_in_dim3A_200 = vector.broadcast %broadcast_in_dim3A_199 : f32 to vector<16xf32>
      %broadcast_in_dim3A_201 = arith.constant 0xFF800000 : f32
      %broadcast_in_dim3A_202 = vector.broadcast %broadcast_in_dim3A_201 : f32 to vector<16xf32>
      %broadcast_in_dim3A_203 = arith.constant 0xFF800000 : f32
      %broadcast_in_dim3A_204 = vector.broadcast %broadcast_in_dim3A_203 : f32 to vector<16xf32>
      %broadcast_in_dim3A_205 = arith.constant 0xFF800000 : f32
      %broadcast_in_dim3A_206 = vector.broadcast %broadcast_in_dim3A_205 : f32 to vector<16xf32>
      %broadcast_in_dim3A_207 = arith.constant 0xFF800000 : f32
      %broadcast_in_dim3A_208 = vector.broadcast %broadcast_in_dim3A_207 : f32 to vector<16xf32>
      %broadcast_in_dim3A_209 = arith.constant 0xFF800000 : f32
      %broadcast_in_dim3A_210 = vector.broadcast %broadcast_in_dim3A_209 : f32 to vector<16xf32>
      %broadcast_in_dim3A_211 = arith.constant 0xFF800000 : f32
      %broadcast_in_dim3A_212 = vector.broadcast %broadcast_in_dim3A_211 : f32 to vector<16xf32>
      %broadcast_in_dim3A_213 = arith.constant 0xFF800000 : f32
      %broadcast_in_dim3A_214 = vector.broadcast %broadcast_in_dim3A_213 : f32 to vector<16xf32>
      %scan3A_215 = arith.constant 0 : i32
      %scan3A_216 = arith.constant 64 : i32
      %scan3A_217 = arith.addi %scan3A_215, %scan3A_216 : i32
      %scan3A_218 = arith.constant 1 : i32
      %scan3A_219:8 = scf.for %scan3A_239 = %scan3A_215 to %scan3A_217 step %scan3A_218 iter_args(%scan3A_240 = %broadcast_in_dim3A_200, %scan3A_241 = %broadcast_in_dim3A_202, %scan3A_242 = %broadcast_in_dim3A_204, %scan3A_243 = %broadcast_in_dim3A_206, %scan3A_244 = %broadcast_in_dim3A_208, %scan3A_245 = %broadcast_in_dim3A_210, %scan3A_246 = %broadcast_in_dim3A_212, %scan3A_247 = %broadcast_in_dim3A_214) -> (vector<16xf32>, vector<16xf32>, vector<16xf32>, vector<16xf32>, vector<16xf32>, vector<16xf32>, vector<16xf32>, vector<16xf32>)  : i32 {
        %get3A_248 = arith.index_cast %scan3A_239 : i32 to index
        %get3A_249 = arith.constant 0 : index
        %get3A_250 = tpu.vector_load %arg23[%get3A_248, %get3A_249] {strides = array<i32>} : memref<64x128xf32, #tpu.memory_space<vmem>>, vector<16xf32>,
        %max3A = arith.maximumf %scan3A_240, %get3A_250 : vector<16xf32>
        %get3A_251 = arith.index_cast %scan3A_239 : i32 to index
        %get3A_252 = arith.constant 16 : index
        %get3A_253 = tpu.vector_load %arg23[%get3A_251, %get3A_252] {strides = array<i32>} : memref<64x128xf32, #tpu.memory_space<vmem>>, vector<16xf32>,
        %max3A_254 = arith.maximumf %scan3A_241, %get3A_253 : vector<16xf32>
        %get3A_255 = arith.index_cast %scan3A_239 : i32 to index
        %get3A_256 = arith.constant 32 : index
        %get3A_257 = tpu.vector_load %arg23[%get3A_255, %get3A_256] {strides = array<i32>} : memref<64x128xf32, #tpu.memory_space<vmem>>, vector<16xf32>,
        %max3A_258 = arith.maximumf %scan3A_242, %get3A_257 : vector<16xf32>
        %get3A_259 = arith.index_cast %scan3A_239 : i32 to index
        %get3A_260 = arith.constant 48 : index
        %get3A_261 = tpu.vector_load %arg23[%get3A_259, %get3A_260] {strides = array<i32>} : memref<64x128xf32, #tpu.memory_space<vmem>>, vector<16xf32>,
        %max3A_262 = arith.maximumf %scan3A_243, %get3A_261 : vector<16xf32>
        %get3A_263 = arith.index_cast %scan3A_239 : i32 to index
        %get3A_264 = arith.constant 64 : index
        %get3A_265 = tpu.vector_load %arg23[%get3A_263, %get3A_264] {strides = array<i32>} : memref<64x128xf32, #tpu.memory_space<vmem>>, vector<16xf32>,
        %max3A_266 = arith.maximumf %scan3A_244, %get3A_265 : vector<16xf32>
        %get3A_267 = arith.index_cast %scan3A_239 : i32 to index
        %get3A_268 = arith.constant 80 : index
        %get3A_269 = tpu.vector_load %arg23[%get3A_267, %get3A_268] {strides = array<i32>} : memref<64x128xf32, #tpu.memory_space<vmem>>, vector<16xf32>,
        %max3A_270 = arith.maximumf %scan3A_245, %get3A_269 : vector<16xf32>
        %get3A_271 = arith.index_cast %scan3A_239 : i32 to index
        %get3A_272 = arith.constant 96 : index
        %get3A_273 = tpu.vector_load %arg23[%get3A_271, %get3A_272] {strides = array<i32>} : memref<64x128xf32, #tpu.memory_space<vmem>>, vector<16xf32>,
        %max3A_274 = arith.maximumf %scan3A_246, %get3A_273 : vector<16xf32>
        %get3A_275 = arith.index_cast %scan3A_239 : i32 to index
        %get3A_276 = arith.constant 112 : index
        %get3A_277 = tpu.vector_load %arg23[%get3A_275, %get3A_276] {strides = array<i32>} : memref<64x128xf32, #tpu.memory_space<vmem>>, vector<16xf32>,
        %max3A_278 = arith.maximumf %scan3A_247, %get3A_277 : vector<16xf32>
        scf.yield %max3A, %max3A_254, %max3A_258, %max3A_262, %max3A_266, %max3A_270, %max3A_274, %max3A_278 : vector<16xf32>, vector<16xf32>, vector<16xf32>, vector<16xf32>, vector<16xf32>, vector<16xf32>, vector<16xf32>, vector<16xf32>
      }
      %scan3A_220 = arith.constant 64 : i32
      %swap3A_221 = arith.constant 256 : index
      %swap3A_222 = tpu.vector_load %arg24[%swap3A_221] {strides = array<i32>} : memref<384xf32, #tpu.memory_space<vmem>>, vector<16xf32>,
      tpu.vector_store %arg24[%swap3A_221], %scan3A_219#0 {strides = array<i32>} : memref<384xf32, #tpu.memory_space<vmem>>, vector<16xf32>,
      %swap3A_223 = arith.constant 272 : index
      %swap3A_224 = tpu.vector_load %arg24[%swap3A_223] {strides = array<i32>} : memref<384xf32, #tpu.memory_space<vmem>>, vector<16xf32>,
      tpu.vector_store %arg24[%swap3A_223], %scan3A_219#1 {strides = array<i32>} : memref<384xf32, #tpu.memory_space<vmem>>, vector<16xf32>,
      %swap3A_225 = arith.constant 288 : index
      %swap3A_226 = tpu.vector_load %arg24[%swap3A_225] {strides = array<i32>} : memref<384xf32, #tpu.memory_space<vmem>>, vector<16xf32>,
      tpu.vector_store %arg24[%swap3A_225], %scan3A_219#2 {strides = array<i32>} : memref<384xf32, #tpu.memory_space<vmem>>, vector<16xf32>,
      %swap3A_227 = arith.constant 304 : index
      %swap3A_228 = tpu.vector_load %arg24[%swap3A_227] {strides = array<i32>} : memref<384xf32, #tpu.memory_space<vmem>>, vector<16xf32>,
      tpu.vector_store %arg24[%swap3A_227], %scan3A_219#3 {strides = array<i32>} : memref<384xf32, #tpu.memory_space<vmem>>, vector<16xf32>,
      %swap3A_229 = arith.constant 320 : index
      %swap3A_230 = tpu.vector_load %arg24[%swap3A_229] {strides = array<i32>} : memref<384xf32, #tpu.memory_space<vmem>>, vector<16xf32>,
      tpu.vector_store %arg24[%swap3A_229], %scan3A_219#4 {strides = array<i32>} : memref<384xf32, #tpu.memory_space<vmem>>, vector<16xf32>,
      %swap3A_231 = arith.constant 336 : index
      %swap3A_232 = tpu.vector_load %arg24[%swap3A_231] {strides = array<i32>} : memref<384xf32, #tpu.memory_space<vmem>>, vector<16xf32>,
      tpu.vector_store %arg24[%swap3A_231], %scan3A_219#5 {strides = array<i32>} : memref<384xf32, #tpu.memory_space<vmem>>, vector<16xf32>,
      %swap3A_233 = arith.constant 352 : index
      %swap3A_234 = tpu.vector_load %arg24[%swap3A_233] {strides = array<i32>} : memref<384xf32, #tpu.memory_space<vmem>>, vector<16xf32>,
      tpu.vector_store %arg24[%swap3A_233], %scan3A_219#6 {strides = array<i32>} : memref<384xf32, #tpu.memory_space<vmem>>, vector<16xf32>,
      %swap3A_235 = arith.constant 368 : index
      %swap3A_236 = tpu.vector_load %arg24[%swap3A_235] {strides = array<i32>} : memref<384xf32, #tpu.memory_space<vmem>>, vector<16xf32>,
      tpu.vector_store %arg24[%swap3A_235], %scan3A_219#7 {strides = array<i32>} : memref<384xf32, #tpu.memory_space<vmem>>, vector<16xf32>,
      %add3A_237 = arith.addi %mul3A_21, %scan3A_28 : i32
      "tpu.region"() ({
        %run_scoped3A = tpu.sem_alloc : memref<!tpu.dma_semaphore, #tpu.memory_space<semaphore_mem>>
        %dma_start3A_239 = arith.constant 0 : i32
        %dma_start3A_240 = tpu.memref_slice %arg11[%add3A_237, %dma_start3A_239] : memref<4096x384xf32, #tpu.memory_space<hbm>> -> memref<1x384xf32, #tpu.memory_space<hbm>>
        %dma_start3A_241 = tpu.memref_squeeze %dma_start3A_240 : memref<1x384xf32, #tpu.memory_space<hbm>> -> memref<384xf32, #tpu.memory_space<hbm>>
        %dma_start3A_242 = arith.constant 0 : i32
        %dma_start3A_243 = tpu.memref_slice %arg11[%add3A_237, %dma_start3A_242] : memref<4096x384xf32, #tpu.memory_space<hbm>> -> memref<1x384xf32, #tpu.memory_space<hbm>>
        %dma_start3A_244 = tpu.memref_squeeze %dma_start3A_243 : memref<1x384xf32, #tpu.memory_space<hbm>> -> memref<384xf32, #tpu.memory_space<hbm>>
        tpu.enqueue_dma source(%arg24 : memref<384xf32, #tpu.memory_space<vmem>>) target(%dma_start3A_244 : memref<384xf32, #tpu.memory_space<hbm>>) target_semaphore(%run_scoped3A : memref<!tpu.dma_semaphore, #tpu.memory_space<semaphore_mem>>)
        %dma_wait3A_245 = arith.constant 0 : i32
        %dma_wait3A_246 = tpu.memref_slice %arg11[%add3A_237, %dma_wait3A_245] : memref<4096x384xf32, #tpu.memory_space<hbm>> -> memref<1x384xf32, #tpu.memory_space<hbm>>
        %dma_wait3A_247 = tpu.memref_squeeze %dma_wait3A_246 : memref<1x384xf32, #tpu.memory_space<hbm>> -> memref<384xf32, #tpu.memory_space<hbm>>
        %dma_wait3A_248 = arith.constant 0 : i32
        %dma_wait3A_249 = tpu.memref_slice %arg11[%add3A_237, %dma_wait3A_248] : memref<4096x384xf32, #tpu.memory_space<hbm>> -> memref<1x384xf32, #tpu.memory_space<hbm>>
        %dma_wait3A_250 = tpu.memref_squeeze %dma_wait3A_249 : memref<1x384xf32, #tpu.memory_space<hbm>> -> memref<384xf32, #tpu.memory_space<hbm>>
        tpu.wait_dma2 semaphore(%run_scoped3A : memref<!tpu.dma_semaphore, #tpu.memory_space<semaphore_mem>>) src(%arg24 : memref<384xf32, #tpu.memory_space<vmem>>) dst(%dma_wait3A_250 : memref<384xf32, #tpu.memory_space<hbm>>)
        tpu.yield
      }) : () -> ()
      %scan3A_238 = arith.constant 0 : i32
      scf.yield %scan3A_238 : i32
    }
    %scan3A_27 = arith.constant 128 : i32
    return
  }
}

module attributes {stable_mosaic.version = 14 : i64} {
  func.func @_fps_body(%arg0: memref<4x4096xf32, #tpu.memory_space<vmem>>, %arg1: memref<4x4096xf32, #tpu.memory_space<vmem>>, %arg2: memref<4x4096xf32, #tpu.memory_space<vmem>>, %arg3: memref<4x1024xf32, #tpu.memory_space<vmem>>, %arg4: memref<4x1024xf32, #tpu.memory_space<vmem>>, %arg5: memref<4x1024xf32, #tpu.memory_space<vmem>>) attributes {dimension_semantics = [], scalar_prefetch = 0 : i64, scratch_operands = 0 : i64, tpu.core_type = #tpu.core_type<tc>} {
    %get3A = arith.constant 0 : index
    %get3A_0 = arith.constant 0 : index
    %get3A_1 = vector.load %arg0[%get3A, %get3A_0] : memref<4x4096xf32, #tpu.memory_space<vmem>>, vector<4x4096xf32>
    %get3A_2 = arith.constant 0 : index
    %get3A_3 = arith.constant 0 : index
    %get3A_4 = vector.load %arg1[%get3A_2, %get3A_3] : memref<4x4096xf32, #tpu.memory_space<vmem>>, vector<4x4096xf32>
    %get3A_5 = arith.constant 0 : index
    %get3A_6 = arith.constant 0 : index
    %get3A_7 = vector.load %arg2[%get3A_5, %get3A_6] : memref<4x4096xf32, #tpu.memory_space<vmem>>, vector<4x4096xf32>
    %iota3A = tpu.iota {dimensions = array<i32: 1>} : vector<4x4096xi32>
    %iota3A_8 = tpu.iota {dimensions = array<i32: 1>} : vector<4x1024xi32>
    %broadcast_in_dim3A = arith.constant 0 : i32
    %broadcast_in_dim3A_9 = vector.broadcast %broadcast_in_dim3A : i32 to vector<4x1xi32>
    %broadcast_in_dim3A_10 = arith.constant 1.000000e+10 : f32
    %broadcast_in_dim3A_11 = vector.broadcast %broadcast_in_dim3A_10 : f32 to vector<4x4096xf32>
    %broadcast_in_dim3A_12 = arith.constant 0.000000e+00 : f32
    %broadcast_in_dim3A_13 = vector.broadcast %broadcast_in_dim3A_12 : f32 to vector<4x1024xf32>
    %scan3A = arith.constant 0 : i32
    %scan3A_14 = arith.constant 1024 : i32
    %scan3A_15 = arith.addi %scan3A, %scan3A_14 : i32
    %scan3A_16 = arith.constant 1 : i32
    %scan3A_17:5 = scf.for %scan3A_27 = %scan3A to %scan3A_15 step %scan3A_16 iter_args(%scan3A_28 = %broadcast_in_dim3A_9, %scan3A_29 = %broadcast_in_dim3A_11, %scan3A_30 = %broadcast_in_dim3A_13, %scan3A_31 = %broadcast_in_dim3A_13, %scan3A_32 = %broadcast_in_dim3A_13) -> (vector<4x1xi32>, vector<4x4096xf32>, vector<4x1024xf32>, vector<4x1024xf32>, vector<4x1024xf32>)  : i32 {
      %eq3A = vector.broadcast %scan3A_28 : vector<4x1xi32> to vector<4x4096xi32>
      %eq3A_33 = arith.cmpi eq, %iota3A, %eq3A : vector<4x4096xi32>
      %jit3A = arith.constant 0.000000e+00 : f32
      %broadcast_in_dim3A_34 = vector.broadcast %jit3A : f32 to vector<4x4096xf32>
      %select_n3A = arith.select %eq3A_33, %get3A_1, %broadcast_in_dim3A_34 : vector<4x4096xi1>, vector<4x4096xf32>
      %reduce_sum3A = arith.constant dense<0.000000e+00> : vector<4xf32>
      %reduce_sum3A_35 = vector.multi_reduction <add>, %select_n3A, %reduce_sum3A [1] : vector<4x4096xf32> to vector<4xf32>
      %broadcast_in_dim3A_36 = vector.shape_cast %reduce_sum3A_35 : vector<4xf32> to vector<4x1xf32>
      %jit3A_37 = arith.constant 0.000000e+00 : f32
      %broadcast_in_dim3A_38 = vector.broadcast %jit3A_37 : f32 to vector<4x4096xf32>
      %select_n3A_39 = arith.select %eq3A_33, %get3A_4, %broadcast_in_dim3A_38 : vector<4x4096xi1>, vector<4x4096xf32>
      %reduce_sum3A_40 = arith.constant dense<0.000000e+00> : vector<4xf32>
      %reduce_sum3A_41 = vector.multi_reduction <add>, %select_n3A_39, %reduce_sum3A_40 [1] : vector<4x4096xf32> to vector<4xf32>
      %broadcast_in_dim3A_42 = vector.shape_cast %reduce_sum3A_41 : vector<4xf32> to vector<4x1xf32>
      %jit3A_43 = arith.constant 0.000000e+00 : f32
      %broadcast_in_dim3A_44 = vector.broadcast %jit3A_43 : f32 to vector<4x4096xf32>
      %select_n3A_45 = arith.select %eq3A_33, %get3A_7, %broadcast_in_dim3A_44 : vector<4x4096xi1>, vector<4x4096xf32>
      %reduce_sum3A_46 = arith.constant dense<0.000000e+00> : vector<4xf32>
      %reduce_sum3A_47 = vector.multi_reduction <add>, %select_n3A_45, %reduce_sum3A_46 [1] : vector<4x4096xf32> to vector<4xf32>
      %broadcast_in_dim3A_48 = vector.shape_cast %reduce_sum3A_47 : vector<4xf32> to vector<4x1xf32>
      %eq3A_49 = vector.broadcast %scan3A_27 : i32 to vector<4x1024xi32>
      %eq3A_50 = arith.cmpi eq, %iota3A_8, %eq3A_49 : vector<4x1024xi32>
      %broadcast_in_dim3A_51 = vector.shape_cast %broadcast_in_dim3A_36 : vector<4x1xf32> to vector<4x1xf32>
      %broadcast_in_dim3A_52 = vector.broadcast %broadcast_in_dim3A_51 : vector<4x1xf32> to vector<4x1024xf32>
      %select_n3A_53 = arith.select %eq3A_50, %broadcast_in_dim3A_52, %scan3A_30 : vector<4x1024xi1>, vector<4x1024xf32>
      %broadcast_in_dim3A_54 = vector.shape_cast %broadcast_in_dim3A_42 : vector<4x1xf32> to vector<4x1xf32>
      %broadcast_in_dim3A_55 = vector.broadcast %broadcast_in_dim3A_54 : vector<4x1xf32> to vector<4x1024xf32>
      %select_n3A_56 = arith.select %eq3A_50, %broadcast_in_dim3A_55, %scan3A_31 : vector<4x1024xi1>, vector<4x1024xf32>
      %broadcast_in_dim3A_57 = vector.shape_cast %broadcast_in_dim3A_48 : vector<4x1xf32> to vector<4x1xf32>
      %broadcast_in_dim3A_58 = vector.broadcast %broadcast_in_dim3A_57 : vector<4x1xf32> to vector<4x1024xf32>
      %select_n3A_59 = arith.select %eq3A_50, %broadcast_in_dim3A_58, %scan3A_32 : vector<4x1024xi1>, vector<4x1024xf32>
      %sub3A = vector.broadcast %broadcast_in_dim3A_36 : vector<4x1xf32> to vector<4x4096xf32>
      %sub3A_60 = arith.subf %get3A_1, %sub3A : vector<4x4096xf32>
      %sub3A_61 = vector.broadcast %broadcast_in_dim3A_42 : vector<4x1xf32> to vector<4x4096xf32>
      %sub3A_62 = arith.subf %get3A_4, %sub3A_61 : vector<4x4096xf32>
      %sub3A_63 = vector.broadcast %broadcast_in_dim3A_48 : vector<4x1xf32> to vector<4x4096xf32>
      %sub3A_64 = arith.subf %get3A_7, %sub3A_63 : vector<4x4096xf32>
      %mul3A = arith.mulf %sub3A_60, %sub3A_60 : vector<4x4096xf32>
      %mul3A_65 = arith.mulf %sub3A_62, %sub3A_62 : vector<4x4096xf32>
      %add3A = arith.addf %mul3A, %mul3A_65 : vector<4x4096xf32>
      %mul3A_66 = arith.mulf %sub3A_64, %sub3A_64 : vector<4x4096xf32>
      %add3A_67 = arith.addf %add3A, %mul3A_66 : vector<4x4096xf32>
      %min3A = arith.minimumf %scan3A_29, %add3A_67 : vector<4x4096xf32>
      %reduce_max3A = arith.constant dense<0xFF800000> : vector<4xf32>
      %reduce_max3A_68 = vector.multi_reduction <maximumf>, %min3A, %reduce_max3A [1] : vector<4x4096xf32> to vector<4xf32>
      %broadcast_in_dim3A_69 = vector.shape_cast %reduce_max3A_68 : vector<4xf32> to vector<4x1xf32>
      %eq3A_70 = vector.broadcast %broadcast_in_dim3A_69 : vector<4x1xf32> to vector<4x4096xf32>
      %eq3A_71 = arith.cmpf oeq, %min3A, %eq3A_70 : vector<4x4096xf32>
      %jit3A_72 = arith.constant 4096 : i32
      %broadcast_in_dim3A_73 = vector.broadcast %jit3A_72 : i32 to vector<4x4096xi32>
      %select_n3A_74 = arith.select %eq3A_71, %iota3A, %broadcast_in_dim3A_73 : vector<4x4096xi1>, vector<4x4096xi32>
      %reduce_min3A = arith.constant dense<2147483647> : vector<4xi32>
      %reduce_min3A_75 = vector.multi_reduction <minsi>, %select_n3A_74, %reduce_min3A [1] : vector<4x4096xi32> to vector<4xi32>
      %broadcast_in_dim3A_76 = vector.shape_cast %reduce_min3A_75 : vector<4xi32> to vector<4x1xi32>
      scf.yield %broadcast_in_dim3A_76, %min3A, %select_n3A_53, %select_n3A_56, %select_n3A_59 : vector<4x1xi32>, vector<4x4096xf32>, vector<4x1024xf32>, vector<4x1024xf32>, vector<4x1024xf32>
    }
    %scan3A_18 = arith.constant 1024 : i32
    %swap3A = arith.constant 0 : index
    %swap3A_19 = arith.constant 0 : index
    %swap3A_20 = vector.load %arg3[%swap3A, %swap3A_19] : memref<4x1024xf32, #tpu.memory_space<vmem>>, vector<4x1024xf32>
    tpu.vector_store %arg3[%swap3A, %swap3A_19], %scan3A_17#2 {strides = array<i32>} : memref<4x1024xf32, #tpu.memory_space<vmem>>, vector<4x1024xf32>,
    %swap3A_21 = arith.constant 0 : index
    %swap3A_22 = arith.constant 0 : index
    %swap3A_23 = vector.load %arg4[%swap3A_21, %swap3A_22] : memref<4x1024xf32, #tpu.memory_space<vmem>>, vector<4x1024xf32>
    tpu.vector_store %arg4[%swap3A_21, %swap3A_22], %scan3A_17#3 {strides = array<i32>} : memref<4x1024xf32, #tpu.memory_space<vmem>>, vector<4x1024xf32>,
    %swap3A_24 = arith.constant 0 : index
    %swap3A_25 = arith.constant 0 : index
    %swap3A_26 = vector.load %arg5[%swap3A_24, %swap3A_25] : memref<4x1024xf32, #tpu.memory_space<vmem>>, vector<4x1024xf32>
    tpu.vector_store %arg5[%swap3A_24, %swap3A_25], %scan3A_17#4 {strides = array<i32>} : memref<4x1024xf32, #tpu.memory_space<vmem>>, vector<4x1024xf32>,
    return
  }
}

module attributes {stable_mosaic.version = 14 : i64} {
  func.func @_mlp_body(%arg0: i32, %arg1: memref<2048x64xf32, #tpu.memory_space<vmem>>, %arg2: memref<64x288xf32, #tpu.memory_space<vmem>>, %arg3: memref<1x288xf32, #tpu.memory_space<vmem>>, %arg4: memref<288x384xf32, #tpu.memory_space<vmem>>, %arg5: memref<1x384xf32, #tpu.memory_space<vmem>>, %arg6: memref<2048x128xf32, #tpu.memory_space<vmem>>, %arg7: memref<2048x128xf32, #tpu.memory_space<vmem>>, %arg8: memref<2048x128xf32, #tpu.memory_space<vmem>>) attributes {dimension_semantics = [#tpu.dimension_semantics<arbitrary>], iteration_bounds = array<i64: 8>, scalar_prefetch = 0 : i64, scratch_operands = 0 : i64, tpu.core_type = #tpu.core_type<tc>, window_params = [{transform_indices = @transform_0, window_bounds = array<i64: 2048, 64>}, {pipeline_mode = #tpu.pipeline_mode<synchronous>, transform_indices = @transform_1, window_bounds = array<i64: 64, 288>}, {pipeline_mode = #tpu.pipeline_mode<synchronous>, transform_indices = @transform_2, window_bounds = array<i64: 1, 288>}, {pipeline_mode = #tpu.pipeline_mode<synchronous>, transform_indices = @transform_3, window_bounds = array<i64: 288, 384>}, {pipeline_mode = #tpu.pipeline_mode<synchronous>, transform_indices = @transform_4, window_bounds = array<i64: 1, 384>}, {transform_indices = @transform_5, window_bounds = array<i64: 2048, 128>}, {transform_indices = @transform_6, window_bounds = array<i64: 2048, 128>}, {transform_indices = @transform_7, window_bounds = array<i64: 2048, 128>}]} {
    %get3A = arith.constant 0 : index
    %get3A_0 = arith.constant 0 : index
    %get3A_1 = vector.load %arg1[%get3A, %get3A_0] : memref<2048x64xf32, #tpu.memory_space<vmem>>, vector<2048x64xf32>
    %get3A_2 = arith.constant 0 : index
    %get3A_3 = arith.constant 0 : index
    %get3A_4 = vector.load %arg2[%get3A_2, %get3A_3] : memref<64x288xf32, #tpu.memory_space<vmem>>, vector<64x288xf32>
    %dot_general3A = arith.constant dense<0.000000e+00> : vector<2048x288xf32>
    %dot_general3A_5 = tpu.matmul %get3A_1, %get3A_4, %dot_general3A {dimension_numbers = #tpu.dot_dimension_numbers<[1], [0], [0], [1], [0, 0, 1, 1], [], []>, transpose_lhs_hint = false} : vector<2048x64xf32>, vector<64x288xf32>, vector<2048x288xf32> -> vector<2048x288xf32>
    %get3A_6 = arith.constant 0 : index
    %get3A_7 = arith.constant 0 : index
    %get3A_8 = vector.load %arg3[%get3A_6, %get3A_7] : memref<1x288xf32, #tpu.memory_space<vmem>>, vector<1x288xf32>
    %add3A = vector.broadcast %get3A_8 : vector<1x288xf32> to vector<2048x288xf32>
    %add3A_9 = arith.addf %dot_general3A_5, %add3A : vector<2048x288xf32>
    %mul3A = arith.constant 0.999994993 : f32
    %mul3A_10 = vector.broadcast %mul3A : f32 to vector<2048x288xf32>
    %mul3A_11 = arith.mulf %add3A_9, %mul3A_10 : vector<2048x288xf32>
    %max3A = arith.constant 0.000000e+00 : f32
    %max3A_12 = vector.broadcast %max3A : f32 to vector<2048x288xf32>
    %max3A_13 = arith.maximumf %mul3A_11, %max3A_12 : vector<2048x288xf32>
    %get3A_14 = arith.constant 0 : index
    %get3A_15 = arith.constant 0 : index
    %get3A_16 = vector.load %arg4[%get3A_14, %get3A_15] : memref<288x384xf32, #tpu.memory_space<vmem>>, vector<288x384xf32>
    %dot_general3A_17 = arith.constant dense<0.000000e+00> : vector<2048x384xf32>
    %dot_general3A_18 = tpu.matmul %max3A_13, %get3A_16, %dot_general3A_17 {dimension_numbers = #tpu.dot_dimension_numbers<[1], [0], [0], [1], [0, 0, 1, 1], [], []>, transpose_lhs_hint = false} : vector<2048x288xf32>, vector<288x384xf32>, vector<2048x384xf32> -> vector<2048x384xf32>
    %get3A_19 = arith.constant 0 : index
    %get3A_20 = arith.constant 0 : index
    %get3A_21 = vector.load %arg5[%get3A_19, %get3A_20] : memref<1x384xf32, #tpu.memory_space<vmem>>, vector<1x384xf32>
    %add3A_22 = vector.broadcast %get3A_21 : vector<1x384xf32> to vector<2048x384xf32>
    %add3A_23 = arith.addf %dot_general3A_18, %add3A_22 : vector<2048x384xf32>
    %mul3A_24 = arith.constant 0.999994993 : f32
    %mul3A_25 = vector.broadcast %mul3A_24 : f32 to vector<2048x384xf32>
    %mul3A_26 = arith.mulf %add3A_23, %mul3A_25 : vector<2048x384xf32>
    %max3A_27 = arith.constant 0.000000e+00 : f32
    %max3A_28 = vector.broadcast %max3A_27 : f32 to vector<2048x384xf32>
    %max3A_29 = arith.maximumf %mul3A_26, %max3A_28 : vector<2048x384xf32>
    %slice3A = vector.extract_strided_slice %max3A_29 {offsets = [0, 0], sizes = [2048, 128], strides = [1, 1]} : vector<2048x384xf32> to vector<2048x128xf32>
    %swap3A = arith.constant 0 : index
    %swap3A_30 = arith.constant 0 : index
    %swap3A_31 = vector.load %arg6[%swap3A, %swap3A_30] : memref<2048x128xf32, #tpu.memory_space<vmem>>, vector<2048x128xf32>
    tpu.vector_store %arg6[%swap3A, %swap3A_30], %slice3A {strides = array<i32>} : memref<2048x128xf32, #tpu.memory_space<vmem>>, vector<2048x128xf32>,
    %slice3A_32 = vector.extract_strided_slice %max3A_29 {offsets = [0, 128], sizes = [2048, 128], strides = [1, 1]} : vector<2048x384xf32> to vector<2048x128xf32>
    %swap3A_33 = arith.constant 0 : index
    %swap3A_34 = arith.constant 0 : index
    %swap3A_35 = vector.load %arg7[%swap3A_33, %swap3A_34] : memref<2048x128xf32, #tpu.memory_space<vmem>>, vector<2048x128xf32>
    tpu.vector_store %arg7[%swap3A_33, %swap3A_34], %slice3A_32 {strides = array<i32>} : memref<2048x128xf32, #tpu.memory_space<vmem>>, vector<2048x128xf32>,
    %slice3A_36 = vector.extract_strided_slice %max3A_29 {offsets = [0, 256], sizes = [2048, 128], strides = [1, 1]} : vector<2048x384xf32> to vector<2048x128xf32>
    %swap3A_37 = arith.constant 0 : index
    %swap3A_38 = arith.constant 0 : index
    %swap3A_39 = vector.load %arg8[%swap3A_37, %swap3A_38] : memref<2048x128xf32, #tpu.memory_space<vmem>>, vector<2048x128xf32>
    tpu.vector_store %arg8[%swap3A_37, %swap3A_38], %slice3A_36 {strides = array<i32>} : memref<2048x128xf32, #tpu.memory_space<vmem>>, vector<2048x128xf32>,
    return
  }
  func.func @transform_0(%arg0: i32) -> (i32, i32) {
    %c0_i32 = arith.constant 0 : i32
    %c0_i32_0 = arith.constant 0 : i32
    return %arg0, %c0_i32 : i32, i32
  }
  func.func @transform_1(%arg0: i32) -> (i32, i32) {
    %c0_i32 = arith.constant 0 : i32
    %c0_i32_0 = arith.constant 0 : i32
    %c0_i32_1 = arith.constant 0 : i32
    return %c0_i32, %c0_i32_0 : i32, i32
  }
  func.func @transform_2(%arg0: i32) -> (i32, i32) {
    %c0_i32 = arith.constant 0 : i32
    %c0_i32_0 = arith.constant 0 : i32
    %c0_i32_1 = arith.constant 0 : i32
    return %c0_i32, %c0_i32_0 : i32, i32
  }
  func.func @transform_3(%arg0: i32) -> (i32, i32) {
    %c0_i32 = arith.constant 0 : i32
    %c0_i32_0 = arith.constant 0 : i32
    %c0_i32_1 = arith.constant 0 : i32
    return %c0_i32, %c0_i32_0 : i32, i32
  }
  func.func @transform_4(%arg0: i32) -> (i32, i32) {
    %c0_i32 = arith.constant 0 : i32
    %c0_i32_0 = arith.constant 0 : i32
    %c0_i32_1 = arith.constant 0 : i32
    return %c0_i32, %c0_i32_0 : i32, i32
  }
  func.func @transform_5(%arg0: i32) -> (i32, i32) {
    %c0_i32 = arith.constant 0 : i32
    %c0_i32_0 = arith.constant 0 : i32
    return %arg0, %c0_i32 : i32, i32
  }
  func.func @transform_6(%arg0: i32) -> (i32, i32) {
    %c0_i32 = arith.constant 0 : i32
    %c0_i32_0 = arith.constant 0 : i32
    return %arg0, %c0_i32 : i32, i32
  }
  func.func @transform_7(%arg0: i32) -> (i32, i32) {
    %c0_i32 = arith.constant 0 : i32
    %c0_i32_0 = arith.constant 0 : i32
    return %arg0, %c0_i32 : i32, i32
  }
}

</mosaic_0001>

<sc_bundles>
// kernel: kernel.5.cloned.1.call-start
scs
__scs_entry_jumppad:
0x0: {  	(pc) =	sbr.rel $0x88, $3  }
0x1: {  	(tag) =	ssettag $0x0;
	lr =	simm.s32 $0x1  }
0x2: {  	[smem:$0x3F93] =	sst lr;
	_ =	strace $0xD0000000  }
0x3: {  	_ = 	snop  }
0x4: {  	_ = 	snop  }
0x5: {  	_ = 	snop  }
0x6: {  	_ = 	snop  }
0x7: {  	_ = 	snop  }
__scs_overlays_trampoline_lowered:
0x8: {  	[smem:$0x3FA2] =	sst s0  }
0x9: {  	[smem:$0x3FA3] =	sst s1  }
0xa: {  	[smem:$0x3FA4] =	sst s2  }
0xb: {  	[smem:$0x3FA5] =	sst s3  }
0xc: {  	[smem:$0x3FA6] =	sst s4  }
0xd: {  	[smem:$0x3FA7] =	sst s5  }
0xe: {  	[smem:$0x3FA8] =	sst s6  }
0xf: {  	[smem:$0x3FA9] =	sst s7  }
0x10: {  	[smem:$0x3FAA] =	sst s8  }
0x11: {  	[smem:$0x3FAB] =	sst s9;
	s0 =	simm.s32 @!p0 $0x0  }
0x12: {  	s1 =	sld [smem:$0x3F91];
	s0 =	simm.s32 @p0 $0x1  }
0x13: {  	[smem:$0x3FAC] =	sst s0;
	s0 =	simm.s32 @!p1 $0x0  }
0x14: {  	s2 =	sld [smem:$0x3F90];
	s0 =	simm.s32 @p1 $0x1  }
0x15: {  	[smem:$0x3FAD] =	sst s0;
	s0 =	simm.s32 @!p2 $0x0  }
0x16: {  	s3 =	sld [smem:$0x3FDB];
	s0 =	simm.s32 @p2 $0x1  }
0x17: {  	s4 =	simm.s32 $0x1BF5;
	[smem:$0x3FAF] =	sst s0  }
0x18: {  	s0 =	sld [smem:$0x3F92];
	_ =	swait.ge [sflag:s4], $0x0  }
0x19: {  	s7 =	sld [smem:$0x3F93]  }
0x1a: {  	s8 =	sadd.s32 $0xFFFFE003, lr  }
0x1b: {  	s9 =	sadd.s32 $0xFFFFFEF7, lr;
	s5 =	simm.s32 $0xFFFFFFFF;
	p2 =	slt.u32 s8, $0xFFFFF086  }
0x1c: {  	p1 =	slt.u32 s9, $0xF7A;
	s5 =	simm.s32 @!p2 $0x0  }
0x1d: {  	s5 =	simm.s32 @p1 $0x1;
	p0 =	seq.s32 s7, s2  }
0x1e: {  	s7 =	smul.u32 @!p0 $0xF7A, s2;
	p2 =	seq.s32 @!p0 s5, $0x0  }
0x1f: {  	s9 =	smul.u32 $0xF7A, s1;
	s8 =	simm.s32 @!p0 $0x1BF5;
	p2 =	por !p2, p0  }
0x20: {  	[sflag:s8] =	ssyncset.s32 @!p0 $0xFFFFF086;
	s6 =	sadd.s32 @!p0 s3, s7;
	s7 =	simm.s32 @!p0 $0x108  }
0x21: {  	s3 =	sadd.s32 s3, s9;
	s6 =	sadd.s32 @!p0 $0x88, s6;
	s7 =	simm.s32 @p2 $0x1082  }
0x22: {  	[simem:s7], [sflag:s8] =	dma.local @!p0 [hbm:s6], $0xF7A  }
0x23: {  	s9 =	sor.u32 $0xD0000000, s2;
	s6 =	simm.s32 $0x108;
	_ =	swait.ge @!p0 [sflag:s8], $0x0  }
0x24: {  	s3 =	sadd.s32 $0x88, s3;
	s6 =	simm.s32 @!p1 $0x1082;
	[sflag:s4] =	ssyncset.s32 $0xFFFFF086  }
0x25: {  	[simem:s6], [sflag:s4] =	dma.local [hbm:s3], $0xF7A  }
0x26: {  	[smem:$0x3F93] =	sst s1;
	(tag) =	ssettag s2;
	_ =	strace s9  }
0x27: {  	s1 =	sld [smem:$0x3FA3]  }
0x28: {  	s2 =	sld [smem:$0x3FA4]  }
0x29: {  	s4 =	sld [smem:$0x3FA6]  }
0x2a: {  	p0 =	seq.s32 s5, $0x0;
	s5 =	sld [smem:$0x3FA7]  }
0x2b: {  	s6 =	sld [smem:$0x3FA8]  }
0x2c: {  	s7 =	sld [smem:$0x3FA9]  }
0x2d: {  	s3 =	simm.s32 $0x108;
	s8 =	sld [smem:$0x3FAA]  }
0x2e: {  	s3 =	simm.s32 @!p0 $0x1082;
	s9 =	sld [smem:$0x3FAB]  }
0x2f: {  	lr =	sadd.s32 s0, s3;
	s0 =	sld [smem:$0x3FA2]  }
0x30: {  	s3 =	sld [smem:$0x3FA5]  }
0x31: {  	[smem:$0x3FAE] =	sst s10  }
0x32: {  	s10 =	sld [smem:$0x3FAC];
	_ =	sdelay $0x3  }
0x33: {  	p0 =	seq.s32 s10, $0x1;
	s10 =	sld [smem:$0x3FAE];
	_ =	sdelay $0x3  }
0x34: {  	[smem:$0x3FAE] =	sst s10  }
0x35: {  	s10 =	sld [smem:$0x3FAD];
	_ =	sdelay $0x3  }
0x36: {  	p1 =	seq.s32 s10, $0x1;
	s10 =	sld [smem:$0x3FAE];
	_ =	sdelay $0x3  }
0x37: {  	[smem:$0x3FAE] =	sst s10  }
0x38: {  	s10 =	sld [smem:$0x3FAF]  }
0x39: {  	_ = 	snop;
	(pc) =	sbr.ind lr, $3  }
0x3a: {  	_ = 	snop  }
0x3b: {  	_ = 	snop  }
0x3c: {  	p2 =	seq.s32 s10, $0x1;
	s10 =	sld [smem:$0x3FAE]  }
0x3d: {  	_ =	shalt  }
0x3e: {  	_ =	shalt  }
0x3f: {  	_ =	shalt  }
0x40: {  	_ =	shalt  }
0x41: {  	_ =	shalt  }
0x42: {  	_ =	shalt  }
0x43: {  	_ =	shalt  }
0x44: {  	_ =	shalt  }
0x45: {  	_ =	shalt  }
0x46: {  	_ =	shalt  }
0x47: {  	_ =	shalt  }
0x48: {  	_ =	shalt  }
0x49: {  	_ =	shalt  }
0x4a: {  	_ =	shalt  }
0x4b: {  	_ =	shalt  }
0x4c: {  	_ =	shalt  }
0x4d: {  	_ =	shalt  }
0x4e: {  	_ =	shalt  }
0x4f: {  	_ =	shalt  }
0x50: {  	_ =	shalt  }
0x51: {  	_ =	shalt  }
0x52: {  	_ =	shalt  }
0x53: {  	_ =	shalt  }
0x54: {  	_ =	shalt  }
0x55: {  	_ =	shalt  }
0x56: {  	_ =	shalt  }
0x57: {  	_ =	shalt  }
0x58: {  	_ =	shalt  }
0x59: {  	_ =	shalt  }
0x5a: {  	_ =	shalt  }
0x5b: {  	_ =	shalt  }
0x5c: {  	_ =	shalt  }
0x5d: {  	_ =	shalt  }
0x5e: {  	_ =	shalt  }
0x5f: {  	_ =	shalt  }
0x60: {  	_ =	shalt  }
0x61: {  	_ =	shalt  }
0x62: {  	_ =	shalt  }
0x63: {  	_ =	shalt  }
0x64: {  	_ =	shalt  }
0x65: {  	_ =	shalt  }
0x66: {  	_ =	shalt  }
0x67: {  	_ =	shalt  }
0x68: {  	_ =	shalt  }
0x69: {  	_ =	shalt  }
0x6a: {  	_ =	shalt  }
0x6b: {  	_ =	shalt  }
0x6c: {  	_ =	shalt  }
0x6d: {  	_ =	shalt  }
0x6e: {  	_ =	shalt  }
0x6f: {  	_ =	shalt  }
0x70: {  	_ =	shalt  }
0x71: {  	_ =	shalt  }
0x72: {  	_ =	shalt  }
0x73: {  	_ =	shalt  }
0x74: {  	_ =	shalt  }
0x75: {  	_ =	shalt  }
0x76: {  	_ =	shalt  }
0x77: {  	_ =	shalt  }
0x78: {  	_ =	shalt  }
0x79: {  	_ =	shalt  }
0x7a: {  	_ =	shalt  }
0x7b: {  	_ =	shalt  }
0x7c: {  	_ =	shalt  }
0x7d: {  	_ =	shalt  }
0x7e: {  	_ =	shalt  }
0x7f: {  	_ =	shalt  }
0x80: {  	_ =	shalt  }
0x81: {  	_ =	shalt  }
0x82: {  	_ =	shalt  }
0x83: {  	_ =	shalt  }
0x84: {  	_ =	shalt  }
0x85: {  	_ =	shalt  }
0x86: {  	_ =	shalt  }
0x87: {  	_ =	shalt  }
.Lfunc_end0:
.L_simem_size_0:
called_computation_lowered:
.L_overlay_start_0:
0x88: {  	s2 =	sld [smem:$0x3FD9]  }
0x89: {  	s3 =	sld [smem:$0x3FFE];
	_ =	sdelay $0x1  }
0x8a: {  	s1 =	srdreg.scid  }
0x8b: {  	s0 =	sand.u32 $0x1, s1  }
0x8c: {  	s14 =	sshll.u32 s0, $0xA;
	s2 =	sadd.s32 s3, s2  }
0x8d: {  	s2 =	sadd.s32 s2, s14  }
0x8e: {  	[smem:$0x3FBA] =	sst s2  }
0x8f: {  	_ = 	snop  }
0x90: {  	s2 =	sld [smem:$0x3FD0];
	_ =	sdelay $0x2  }
0x91: {  	s15 =	simm.s32 $0xA;
	s4 =	simm.s32 $0x10  }
0x92: {  	[smem:s4], [sflag:s15] =	dma.local [hbm:s2], $0x1  }
0x93: {  	_ =	swait.eq [sflag:s15], $0x1  }
0x94: {  	[sflag:s15] =	ssyncset.done $0x0  }
0x95: {  	[sflag:s15] =	ssyncadd.s32 $0xFFFFFFFF  }
0x96: {  	s16 =	sld [smem:$0x11];
	(tm) =	ssettm $0x1  }
0x97: {  	s17 =	sld [smem:$0x3FFB];
	_ =	sdelay $0x3  }
0x98: {  	_ =	strace s17  }
0x99: {  	s3 =	sld [smem:$0x3FFC];
	_ =	sdelay $0x3  }
0x9a: {  	_ =	strace s3  }
0x9b: {  	s3 =	sld [smem:$0x3FFD];
	_ =	sdelay $0x3  }
0x9c: {  	_ =	strace s3  }
0x9d: {  	_ =	strace $0x8FFFFFFF  }
0x9e: {  	s18 =	sld [smem:$0x3FDB];
	_ =	sdelay $0x1  }
0x9f: {  	s19 =	simm.s32 $_scs_section_size  }
0xa0: {  	s5 =	simm.s32 $_size__tile_overlayer_lowered;
	s6 =	simm.s32 $_tile_overlayer_lowered  }
0xa1: {  	s22 =	simm.s32 $0x1BFF;
	s21 =	sshll.u32 s6, $0x1;
	s3 =	sadd.s32 s19, s18  }
0xa2: {  	s7 =	simm.s32 $0x0;
	s20 =	sshll.u32 s5, $0x1;
	s5 =	sadd.s32 s21, s3  }
0xa3: {  	[timem:s7], [sflag:s22] =	dma.local [hbm:s5], s20  }
0xa4: {  	_ =	swait.ge [sflag:s22], s20  }
0xa5: {  	s4 =	ssub.s32 $0x0, s20;
	[sflag:s22] =	ssyncset.done $0x0  }
0xa6: {  	[sflag:s22] =	ssyncadd.s32 s4;
	_ =	sdelay $0x1  }
0xa7: {  	s23 =	simm.s32 $0x1B8B  }
0xa8: {  	_ =	swait.ge [sflag:s23], $0x1  }
0xa9: {  	[sflag:s23] =	ssyncset.done $0x0  }
0xaa: {  	s25 =	simm.s32 $0x1B8E;
	s24 =	sld [smem:$0x3FFE];
	[sflag:s23] =	ssyncadd.s32 $0xFFFFFFFF  }
0xab: {  	s26 =	simm.s32 $execute0_lowered;
	[smem:$0x3FD2] =	sst s25  }
0xac: {  	s5 =	sshll.u32 s26, $0x1;
	_ =	strace $0x80000046;
	[dreg:$0x1] =	wrdreg $0xFFFFFFFF  }
0xad: {  	s28 =	simm.s32 $_size_execute0_lowered;
	s3 =	sadd.s32 s3, s5;
	[dreg:$0x0] =	wrdreg $0x0  }
0xae: {  	s5 =	sshll.u32 s28, $0x1;
	[dreg:$0x2] =	wrdreg s3  }
0xaf: {  	[dreg:$0x3] =	wrdreg s5  }
0xb0: {  	[dreg:$0x4] =	wrdreg $0xC0  }
0xb1: {  	_ =	task [dreg:s7], $0x5FFFF  }
0xb2: {  	[dreg:$0x1] =	wrdreg $0xFFFFFFFF  }
0xb3: {  	[dreg:$0x0] =	wrdreg $0x60  }
0xb4: {  	[dreg:$0x2] =	wrdreg s16  }
0xb5: {  	[dreg:$0x3] =	wrdreg s24  }
0xb6: {  	[dreg:$0x4] =	wrdreg $0x9  }
0xb7: {  	_ =	task.clear_ibuf [dreg:s7], $0x5FFFF;
	_ =	strace $0x90000046  }
0xb8: {  	s29 =	simm.s32 $0x9;
	_ =	strace $0x80000048  }
0xb9: {  	_ =	swait.ge [sflag:s29], $0x1  }
0xba: {  	[sflag:s29] =	ssyncadd.s32 $0xFFFFFFFF  }
0xbb: {  	_ =	strace $0x90000048  }
0xbc: {  	_ =	sfence  }
0xbd: {  	s30 =	sld [smem:$0x0];
	_ =	sdelay $0x2  }
0xbe: {  	s31 =	sshll.u32 s1, $0xD;
	s1 =	sshrl.u32 s1, $0x2  }
0xbf: {  	s3 =	sand.u32 $0x4000, s31;
	s1 =	sadd.s32 s1, s30  }
0xc0: {  	s0 =	sor.u32 s3, s0;
	s1 =	sshll.u32 s1, $0x11  }
0xc1: {  	s0 =	sor.u32 s1, s0  }
0xc2: {  	s0 =	sadd.s32 $0x8F2B, s0  }
0xc3: {  	[sflag:s0] =	ssyncadd.remote.s32 $0x1  }
0xc4: {  	_ =	sfence.sel $0xFFFF  }
0xc5: {  	[dreg:$0x0] =	wrdreg $0xFFFFFFFF;
	(pc) =	sbr.abs _section_cstart, $3  }
0xc6: {  	[dreg:$0x1] =	wrdreg $0xFFFFFFFF  }
0xc7: {  	_ =	task.clear_ibuf [dreg:s7], $0x2FFFF;
	_ =	strace $0x9FFFFFFF  }
0xc8: {  	(tm) =	ssettm $0x7FFFFFFF  }
0xc9: {  	_ =	shalt  }
tec
execute0_lowered:
.L_overlay_start_1:
0x0: {  	(tag) =	ssettag $0x1  }
0x1: {  	s0 =	rddreg [dreg:$0x0]  }
0x2: {  	s1 =	rddreg [dreg:$0x1];
	s3 =	srdreg.scid;
	s2 =	simm.s32 $0x0  }
0x3: {  	s4 =	stileid.u32;
	s16 =	simm.s32 $0x80;
	s18 =	simm.s32 $0x4  }
0x4: {  	s19 =	simm.s32 $0x1000;
	s20 =	simm.s32 $0x2000;
	s21 =	simm.s32 $0x3000  }
0x5: {  	s5 =	sand.u32 $0x1, s3;
	s8 =	sshrl.u32 s4, $0x2;
	s22 =	sshll.u32 s4, $0x8  }
0x6: {  	[smem:$0x7FF] =	sst s2;
	s6 =	sadd.s32 $0x43200, s1;
	s7 =	sadd.s32 $0xC3200, s1  }
0x7: {  	s23 =	sshll.u32 s5, $0x7;
	s9 =	sshll.u32 s8, $0x4;
	_ =	strace $0x80000047  }
0x8: {  	s12 =	ssub.s32 $0x2, s5;
	s5 =	sadd.s32 $0x83200, s1;
	s14 =	sshll.u32 s8, $0xC  }
0x9: {  	s8 =	simm.s32 $0x1;
	s3 =	sor.u32 s23, s22;
	s10 =	sadd.s32 s9, s1  }
0xa: {  	s13 =	sshrl.u32 s12, $0x1;
	s0 =	sadd.s32 s0, s9;
	s22 =	simm.s32 $0x3080  }
0xb: {  	s23 =	simm.s32 $0x3100;
	s9 =	simm.s32 $0x2;
	s4 =	sshrl.u32 s3, $0x3  }
0xc: {  	s24 =	ssub.s32 s12, s13;
	[dreg:$0x3] =	wrdreg s0;
	s25 =	sadd.s32 $0x2400, s10  }
0xd: {  	s26 =	sadd.s32 $0x1C00, s10;
	s10 =	simm.s32 $0x3;
	s12 =	simm.s32 $0x6B00  }
0xe: {  	s13 =	simm.s32 $0x0;
	s11 =	sadd.s32 s4, s1;
	[dreg:$0x4] =	wrdreg s25  }
0xf: {  	s4 =	sadd.s32 $0x3200, s1;
	[dreg:$0x5] =	wrdreg s26;
	s31 =	smax.u32 s24, $0x1  }
0x10: {  	s24 =	simm.s32 $0x3180;
	s28 =	sadd.s32 $0x2C00, s11;
	[dreg:$0x9] =	wrdreg s31  }
0x11: {  	s25 =	simm.s32 $0x3200;
	s29 =	sadd.s32 $0x2E00, s11;
	[dreg:$0x6] =	wrdreg s28  }
0x12: {  	v0 =	vlaneseq.u32;
	v1 =	vimm.s32 $0x0;
	s26 =	simm.s32 $0x3280;
	s30 =	sadd.s32 $0x3000, s11;
	[dreg:$0x7] =	wrdreg s29  }
0x13: {  	v2 =	vor.u32 $0x10, v0;
	v3 =	vor.u32 $0x20, v0;
	v4 =	vor.u32 $0x30, v0;
	s1 =	simm.s32 $0x4B00;
	s11 =	simm.s32 $0x400;
	[dreg:$0x8] =	wrdreg s30  }
.LBB2_1:
0x14: {  	[dreg:$0xa] =	wrdreg s13  }
0x15: {  	s0 =	rddreg [dreg:$0x3];
	s15 =	simm.s32 $0x200  }
0x16: {  	[tilespmem:s2], [sflag:$0x4] =	stream.strided.gather [hbm4b:s0+s16], $0x1000, s15, s16, $0x38;
	[tilespmem:$0x6C80] =	vst v63  }
0x17: {  	_ =	swait.ge [sflag:s18], $0x1000  }
0x18: {  	[sflag:s18] =	ssyncset.done $0x0  }
0x19: {  	s17 =	rddreg [dreg:$0x4];
	[sflag:s18] =	ssyncadd.s32 $0xFFFFF000  }
0x1a: {  	[tilespmem:s19], [sflag:$0x4] =	stream.strided.gather [hbm4b:s17+s16], $0x1000, s15, s16, $0x38;
	[tilespmem:$0x6C80] =	vst v63  }
0x1b: {  	_ =	swait.ge [sflag:s18], $0x1000  }
0x1c: {  	[sflag:s18] =	ssyncset.done $0x0  }
0x1d: {  	s28 =	rddreg [dreg:$0x5];
	[sflag:s18] =	ssyncadd.s32 $0xFFFFF000  }
0x1e: {  	[tilespmem:s20], [sflag:$0x4] =	stream.strided.gather [hbm4b:s28+s16], $0x1000, s15, s16, $0x38;
	[tilespmem:$0x6C80] =	vst v63  }
0x1f: {  	_ =	swait.ge [sflag:s18], $0x1000  }
0x20: {  	[sflag:s18] =	ssyncset.done $0x0  }
0x21: {  	s29 =	rddreg [dreg:$0x6];
	[sflag:s18] =	ssyncadd.s32 $0xFFFFF000  }
0x22: {  	[tilespmem:s21], [sflag:$0x4] =	stream.linear.gather [hbm4b:s29+s2], $0x80, $0x38;
	[tilespmem:$0x6C80] =	vst v63  }
0x23: {  	_ =	swait.ge [sflag:s18], $0x80  }
0x24: {  	[sflag:s18] =	ssyncset.done $0x0  }
0x25: {  	s30 =	rddreg [dreg:$0x7];
	[sflag:s18] =	ssyncadd.s32 $0xFFFFFF80  }
0x26: {  	[tilespmem:s22], [sflag:$0x4] =	stream.linear.gather [hbm4b:s30+s2], $0x80, $0x38;
	[tilespmem:$0x6C80] =	vst v63  }
0x27: {  	_ =	swait.ge [sflag:s18], $0x80  }
0x28: {  	[sflag:s18] =	ssyncset.done $0x0  }
0x29: {  	s31 =	rddreg [dreg:$0x8];
	[sflag:s18] =	ssyncadd.s32 $0xFFFFFF80  }
0x2a: {  	[tilespmem:s23], [sflag:$0x4] =	stream.linear.gather [hbm4b:s31+s2], $0x80, $0x38;
	[tilespmem:$0x6C80] =	vst v63  }
0x2b: {  	_ =	swait.ge [sflag:s18], $0x80  }
0x2c: {  	[sflag:s18] =	ssyncset.done $0x0  }
0x2d: {  	s15 =	simm.s32 $0x0;
	[sflag:s18] =	ssyncadd.s32 $0xFFFFFF80  }
.LBB2_2:
0x2e: {  	v7 =	vmov s15;
	_ =	sdelay $0x4  }
0x2f: {  	v5 =	vld.idx.msk [tilespmem:v7+s21+$0x0], $0xffff  }
0x30: {  	s29 =	simm.s32 $0x0;
	v6 =	vld.idx.msk [tilespmem:v7+s22+$0x0], $0xffff  }
0x31: {  	s17 =	simm.s32 $0x0;
	s13 =	simm.s32 $0x0;
	s28 =	simm.s32 $0x0;
	v7 =	vld.idx.msk [tilespmem:v7+s23+$0x0], $0xffff  }
.LBB2_3:
0x32: {  	v8 =	vor.u32 s29, v0;
	_ =	sdelay $0x4  }
0x33: {  	v9 =	vld.idx.msk [tilespmem:v8+s2+$0x0], $0xffff  }
0x34: {  	v10 =	vld.idx.msk [tilespmem:v8+s19+$0x0], $0xffff;
	_ =	sdelay $0x1  }
0x35: {  	v8 =	vld.idx.msk [tilespmem:v8+s20+$0x0], $0xffff;
	_ =	sdelay $0x2  }
0x36: {  	v9 =	vsub.f32 v9, v5;
	v10 =	vsub.f32 v10, v6;
	_ =	sdelay $0x1  }
0x37: {  	v8 =	vsub.f32 v8, v7;
	v9 =	vmul.f32 v9, v9;
	v10 =	vmul.f32 v10, v10;
	_ =	sdelay $0x1  }
0x38: {  	v8 =	vmul.f32 v8, v8;
	v9 =	vadd.f32 v10, v9;
	_ =	sdelay $0x1  }
0x39: {  	v8 =	vadd.f32 v8, v9;
	_ =	sdelay $0x1  }
0x3a: {  	vm0 =	vle.f32 v8, $3.999999910e-02  }
0x3b: {  	vm1 =	vle.f32 v8, $1.599999960e-01;
	v61 =	vsel vm0, $0x1, v1  }
0x3c: {  	vm2 =	vle.f32 v8, $6.399999860e-01;
	v62 =	vsel vm1, $0x1, v1;
	(xrf0) =	vadd.scan.msk.s32 $0xffff, v61  }
0x3d: {  	v8 =	vsel vm2, $0x1, v1;
	(xrf0) =	vadd.scan.msk.s32 $0xffff, v62  }
0x3e: {  	(xrf0) =	vadd.scan.msk.s32 $0xffff, v8;
	_ =	sdelay $0x3  }
0x3f: {  	v8, _, _ =	vpop (xrf0)  }
0x40: {  	v9, _, _ =	vpop (xrf0);
	(v2sf) =	vpush v8, $0xF  }
0x41: {  	(v2sf) =	vpush v9, $0xF;
	v63, _, _ =	vpop (xrf0)  }
0x42: {  	(v2sf) =	vpush v63, $0xF;
	_ =	sdelay $0xb  }
0x43: {  	s31 =	sadd.s32 $0xFFFFFFFF, s13  }
0x44: {  	s30 =	sadd.s32 $0xFFFFFFFF, s28;
	v9 =	vadd.s32 s31, v9;
	s31 =	spop (v2sf)  }
0x45: {  	s0 =	sadd.s32 $0xFFFFFFFF, s17;
	v8 =	vadd.s32 s30, v8;
	s30 =	spop (v2sf)  }
0x46: {  	vm3 =	vlt.s32 v8, $0x10;
	v10 =	vadd.s32 s0, v63;
	s28 =	sadd.s32 s28, s31;
	s0 =	spop (v2sf);
	s13 =	sadd.s32 s13, s30  }
0x47: {  	vm0 =	vmand vm0, vm3;
	vm14 =	vlt.s32 v9, $0x20;
	p0 =	slt.s32 s28, $0x10;
	s17 =	sadd.s32 s17, s0;
	p1 =	slt.s32 s13, $0x20  }
0x48: {  	vm1 =	vmand vm1, vm14;
	vm15 =	vlt.s32 v10, $0x40;
	p0 =	por p0, p1;
	p6 =	slt.s32 s17, $0x40  }
0x49: {  	p2 =	sgt.u32 s29, $0xFEF;
	vm2 =	vmand vm2, vm15;
	p0 =	por p0, p6  }
0x4a: {  	p0 =	por p2, !p0  }
.Ltmp0:
0x4b: {  	s31 =	sor.u32 s14, s29;
	(pc) =	sbr.rel @!p0 .LBB2_3-.Ltmp0, $4  }
0x4c: {  	v11 =	vor.u32 s31, v0  }
0x4d: {  	[tilespmem:v8+s24+$0x0] =	vst.idx.msk vm0, v11  }
0x4e: {  	[tilespmem:v9+s25+$0x0] =	vst.idx.msk vm1, v11  }
0x4f: {  	s29 =	sadd.s32 $0x10, s29;
	[tilespmem:v10+s26+$0x0] =	vst.idx.msk vm2, v11  }
0x50: {  	v5 =	vld.msk [tilespmem:s24+$0x0], $0xffff  }
0x51: {  	v6 =	vld [tilespmem:$0x3180];
	_ =	sdelay $0x2  }
0x52: {  	v7 =	vmov s28  }
0x53: {  	vm0 =	vgt.s32 v7, v0  }
0x54: {  	v5 =	vsel vm0, v6, v5  }
0x55: {  	v6 =	vld [tilespmem:$0x3200];
	[tilespmem:$0x3180] =	vst v5  }
0x56: {  	v5 =	vld.msk [tilespmem:s25+$0x0], $0xffff  }
0x57: {  	v7 =	vld [tilespmem:$0x3210];
	_ =	sdelay $0x1  }
0x58: {  	v8 =	vmov s13  }
0x59: {  	vm10 =	vgt.s32 v8, v0  }
0x5a: {  	vm11 =	vgt.s32 v8, v2;
	v6 =	vsel vm10, v6, v5  }
0x5b: {  	v5 =	vsel vm11, v7, v5;
	[tilespmem:$0x3200] =	vst v6  }
0x5c: {  	[tilespmem:$0x3210] =	vst v5;
	v6 =	vld [tilespmem:$0x3280]  }
0x5d: {  	v5 =	vld.msk [tilespmem:s26+$0x0], $0xffff  }
0x5e: {  	v7 =	vld [tilespmem:$0x3290]  }
0x5f: {  	v8 =	vld [tilespmem:$0x32A0]  }
0x60: {  	v9 =	vmov s17;
	v10 =	vld [tilespmem:$0x32B0]  }
0x61: {  	vm12 =	vgt.s32 v9, v0  }
0x62: {  	vm13 =	vgt.s32 v9, v2;
	v6 =	vsel vm12, v6, v5  }
0x63: {  	vm14 =	vgt.s32 v9, v3;
	[tilespmem:$0x3280] =	vst v6;
	v6 =	vsel vm13, v7, v5  }
0x64: {  	vm15 =	vgt.s32 v9, v4;
	[tilespmem:$0x3290] =	vst v6;
	v6 =	vsel vm14, v8, v5  }
0x65: {  	v5 =	vsel vm15, v10, v5;
	[tilespmem:$0x32A0] =	vst v6  }
0x66: {  	s0 =	simm.s32 $0x10;
	s17 =	simm.s32 $0x3300;
	[tilespmem:$0x32B0] =	vst v5  }
0x67: {  	[tilespmem:s17], [sflag:$0x1] =	stream.indirect.gather [hbm4b:s4+s0], $0x80, s24, s0, $0xb8;
	[tilespmem:$0x6C80] =	vst v63  }
0x68: {  	s28 =	simm.s32 $0x20;
	s29 =	simm.s32 $0x3B00  }
0x69: {  	[tilespmem:s29], [sflag:$0x2] =	stream.indirect.gather [hbm4b:s5+s28], $0x80, s25, s28, $0xb8;
	[tilespmem:$0x6C80] =	vst v63  }
0x6a: {  	s30 =	simm.s32 $0x40  }
0x6b: {  	[tilespmem:s1], [sflag:$0x3] =	stream.indirect.gather [hbm4b:s6+s30], $0x80, s26, s30, $0xb8;
	[tilespmem:$0x6C80] =	vst v63  }
0x6c: {  	_ =	swait.ge [sflag:s8], $0x800  }
0x6d: {  	[sflag:s8] =	ssyncset.done $0x0  }
0x6e: {  	s31 =	simm.s32 $0x0;
	[sflag:s8] =	ssyncadd.s32 $0xFFFFF800  }
0x6f: {  	v5 =	vld [tilespmem:s31+$0x3370]  }
0x70: {  	v7 =	vld [tilespmem:s31+$0x3300]  }
0x71: {  	v8 =	vld [tilespmem:s31+$0x3310]  }
0x72: {  	v16 =	vld [tilespmem:s31+$0x3320]  }
0x73: {  	v14 =	vld [tilespmem:s31+$0x3330]  }
0x74: {  	v11 =	vimm.f32 $-Inf;
	v6 =	vimm.f32 $-Inf;
	v10 =	vld [tilespmem:s31+$0x3340]  }
0x75: {  	v9 =	vimm.f32 $-Inf;
	v12 =	vld [tilespmem:s31+$0x3350];
	v5 =	vmax.f32 v6, v5;
	v15 =	vmax.f32 v6, v7  }
0x76: {  	s13 =	simm.s32 $0x80;
	s17 =	simm.s32 $0x400;
	v17 =	vld [tilespmem:s31+$0x3360];
	v13 =	vmax.f32 v6, v8;
	v8 =	vimm.f32 $-Inf;
	v7 =	vimm.f32 $-Inf  }
.LBB2_5:
0x77: {  	p0 =	sne.s32 s17, $0x1E00;
	v18 =	vld [tilespmem:s13+$0x3370];
	v6 =	vmax.f32 v6, v16  }
0x78: {  	v19 =	vld [tilespmem:s13+$0x3300];
	v9 =	vmax.f32 v9, v14  }
0x79: {  	v20 =	vld [tilespmem:s13+$0x3310];
	v11 =	vmax.f32 v11, v10  }
.Ltmp1:
0x7a: {  	v16 =	vld [tilespmem:s13+$0x3320];
	v8 =	vmax.f32 v8, v12;
	(pc) =	sbr.rel @p0 .LBB2_5-.Ltmp1, $4  }
0x7b: {  	v14 =	vld [tilespmem:s13+$0x3330];
	v7 =	vmax.f32 v7, v17  }
0x7c: {  	v10 =	vld [tilespmem:s13+$0x3340];
	v5 =	vmax.f32 v5, v18  }
0x7d: {  	v15 =	vmax.f32 v15, v19;
	v12 =	vld [tilespmem:s13+$0x3350]  }
0x7e: {  	v13 =	vmax.f32 v13, v20;
	v17 =	vld [tilespmem:s13+$0x3360];
	s13 =	sshra.s32 s17, $0x2;
	s17 =	sadd.s32 $0x200, s17  }
0x7f: {  	v18 =	vld [tilespmem:s13+$0x3370]  }
0x80: {  	v19 =	vld [tilespmem:s13+$0x3300]  }
0x81: {  	v20 =	vld [tilespmem:s13+$0x3310]  }
0x82: {  	v21 =	vld [tilespmem:s13+$0x3320]  }
0x83: {  	v22 =	vld [tilespmem:s13+$0x3330]  }
0x84: {  	v23 =	vld [tilespmem:s13+$0x3340]  }
0x85: {  	v24 =	vld [tilespmem:s13+$0x3350];
	v15 =	vmax.f32 v15, v19  }
0x86: {  	v6 =	vmax.f32 v6, v16;
	v19 =	vld [tilespmem:s13+$0x3360];
	v13 =	vmax.f32 v13, v20;
	[tilespmem:$0x6B00] =	vst v15  }
0x87: {  	v9 =	vmax.f32 v9, v14;
	v6 =	vmax.f32 v6, v21;
	[tilespmem:$0x6B10] =	vst v13  }
0x88: {  	v9 =	vmax.f32 v9, v22;
	[tilespmem:$0x6B20] =	vst v6  }
0x89: {  	v10 =	vmax.f32 v11, v10;
	v5 =	vmax.f32 v5, v18;
	[tilespmem:$0x6B30] =	vst v9  }
0x8a: {  	v6 =	vmax.f32 v8, v12;
	v8 =	vmax.f32 v10, v23;
	[tilespmem:$0x6B70] =	vst v5  }
0x8b: {  	v7 =	vmax.f32 v7, v17;
	v6 =	vmax.f32 v6, v24;
	[tilespmem:$0x6B40] =	vst v8  }
0x8c: {  	[tilespmem:$0x6B50] =	vst v6;
	v7 =	vmax.f32 v7, v19  }
0x8d: {  	[tilespmem:$0x6B60] =	vst v7  }
0x8e: {  	_ =	swait.ge [sflag:s9], $0x1000  }
0x8f: {  	[sflag:s9] =	ssyncset.done $0x0  }
0x90: {  	s0 =	simm.s32 $0x0;
	[sflag:s9] =	ssyncadd.s32 $0xFFFFF000  }
0x91: {  	v5 =	vld [tilespmem:s0+$0x3B70]  }
0x92: {  	v7 =	vld [tilespmem:s0+$0x3B00]  }
0x93: {  	v8 =	vld [tilespmem:s0+$0x3B10]  }
0x94: {  	v16 =	vld [tilespmem:s0+$0x3B20]  }
0x95: {  	v14 =	vld [tilespmem:s0+$0x3B30]  }
0x96: {  	v11 =	vimm.f32 $-Inf;
	v6 =	vimm.f32 $-Inf;
	v10 =	vld [tilespmem:s0+$0x3B40]  }
0x97: {  	v9 =	vimm.f32 $-Inf;
	v12 =	vld [tilespmem:s0+$0x3B50];
	v5 =	vmax.f32 v6, v5;
	v15 =	vmax.f32 v6, v7  }
0x98: {  	s17 =	simm.s32 $0x400;
	s13 =	simm.s32 $0x80;
	v17 =	vld [tilespmem:s0+$0x3B60];
	v13 =	vmax.f32 v6, v8;
	v8 =	vimm.f32 $-Inf;
	v7 =	vimm.f32 $-Inf  }
.LBB2_7:
0x99: {  	p0 =	sne.s32 s17, $0x3E00;
	v18 =	vld [tilespmem:s13+$0x3B70];
	v6 =	vmax.f32 v6, v16  }
0x9a: {  	v19 =	vld [tilespmem:s13+$0x3B00];
	v9 =	vmax.f32 v9, v14  }
0x9b: {  	v20 =	vld [tilespmem:s13+$0x3B10];
	v11 =	vmax.f32 v11, v10  }
.Ltmp2:
0x9c: {  	v16 =	vld [tilespmem:s13+$0x3B20];
	v8 =	vmax.f32 v8, v12;
	(pc) =	sbr.rel @p0 .LBB2_7-.Ltmp2, $4  }
0x9d: {  	v14 =	vld [tilespmem:s13+$0x3B30];
	v7 =	vmax.f32 v7, v17  }
0x9e: {  	v10 =	vld [tilespmem:s13+$0x3B40];
	v5 =	vmax.f32 v5, v18  }
0x9f: {  	v15 =	vmax.f32 v15, v19;
	v12 =	vld [tilespmem:s13+$0x3B50]  }
0xa0: {  	v13 =	vmax.f32 v13, v20;
	v17 =	vld [tilespmem:s13+$0x3B60];
	s13 =	sshra.s32 s17, $0x2;
	s17 =	sadd.s32 $0x200, s17  }
0xa1: {  	v18 =	vld [tilespmem:s13+$0x3B70]  }
0xa2: {  	v19 =	vld [tilespmem:s13+$0x3B00]  }
0xa3: {  	v20 =	vld [tilespmem:s13+$0x3B10]  }
0xa4: {  	v21 =	vld [tilespmem:s13+$0x3B20]  }
0xa5: {  	v22 =	vld [tilespmem:s13+$0x3B30]  }
0xa6: {  	v23 =	vld [tilespmem:s13+$0x3B40]  }
0xa7: {  	v24 =	vld [tilespmem:s13+$0x3B50];
	v15 =	vmax.f32 v15, v19  }
0xa8: {  	v6 =	vmax.f32 v6, v16;
	v19 =	vld [tilespmem:s13+$0x3B60];
	v13 =	vmax.f32 v13, v20;
	[tilespmem:$0x6B80] =	vst v15  }
0xa9: {  	v9 =	vmax.f32 v9, v14;
	v6 =	vmax.f32 v6, v21;
	[tilespmem:$0x6B90] =	vst v13  }
0xaa: {  	v9 =	vmax.f32 v9, v22;
	[tilespmem:$0x6BA0] =	vst v6  }
0xab: {  	v10 =	vmax.f32 v11, v10;
	v5 =	vmax.f32 v5, v18;
	[tilespmem:$0x6BB0] =	vst v9  }
0xac: {  	v6 =	vmax.f32 v8, v12;
	v8 =	vmax.f32 v10, v23;
	[tilespmem:$0x6BF0] =	vst v5  }
0xad: {  	v7 =	vmax.f32 v7, v17;
	v6 =	vmax.f32 v6, v24;
	[tilespmem:$0x6BC0] =	vst v8  }
0xae: {  	[tilespmem:$0x6BD0] =	vst v6;
	v7 =	vmax.f32 v7, v19  }
0xaf: {  	[tilespmem:$0x6BE0] =	vst v7  }
0xb0: {  	_ =	swait.ge [sflag:s10], $0x2000  }
0xb1: {  	[sflag:s10] =	ssyncset.done $0x0  }
0xb2: {  	s0 =	simm.s32 $0x0;
	[sflag:s10] =	ssyncadd.s32 $0xFFFFE000  }
0xb3: {  	v5 =	vld [tilespmem:s0+$0x4B70]  }
0xb4: {  	v6 =	vld [tilespmem:s0+$0x4B00]  }
0xb5: {  	v8 =	vld [tilespmem:s0+$0x4B10]  }
0xb6: {  	v17 =	vld [tilespmem:s0+$0x4B20]  }
0xb7: {  	v15 =	vld [tilespmem:s0+$0x4B30]  }
0xb8: {  	v12 =	vimm.f32 $-Inf;
	v7 =	vimm.f32 $-Inf;
	v9 =	vld [tilespmem:s0+$0x4B40]  }
0xb9: {  	v13 =	vimm.f32 $-Inf;
	v10 =	vld [tilespmem:s0+$0x4B50];
	v5 =	vmax.f32 v7, v5;
	v16 =	vmax.f32 v7, v6  }
0xba: {  	s17 =	simm.s32 $0x400;
	s13 =	simm.s32 $0x80;
	v11 =	vld [tilespmem:s0+$0x4B60];
	v14 =	vmax.f32 v7, v8;
	v8 =	vimm.f32 $-Inf;
	v6 =	vimm.f32 $-Inf  }
.LBB2_9:
0xbb: {  	p0 =	sne.s32 s17, $0x7E00;
	v18 =	vld [tilespmem:s13+$0x4B70];
	v7 =	vmax.f32 v7, v17  }
0xbc: {  	v19 =	vld [tilespmem:s13+$0x4B00];
	v12 =	vmax.f32 v12, v15  }
0xbd: {  	v20 =	vld [tilespmem:s13+$0x4B10];
	v13 =	vmax.f32 v13, v9  }
.Ltmp3:
0xbe: {  	v17 =	vld [tilespmem:s13+$0x4B20];
	v8 =	vmax.f32 v8, v10;
	(pc) =	sbr.rel @p0 .LBB2_9-.Ltmp3, $4  }
0xbf: {  	v15 =	vld [tilespmem:s13+$0x4B30];
	v6 =	vmax.f32 v6, v11  }
0xc0: {  	v9 =	vld [tilespmem:s13+$0x4B40];
	v5 =	vmax.f32 v5, v18  }
0xc1: {  	v16 =	vmax.f32 v16, v19;
	v10 =	vld [tilespmem:s13+$0x4B50]  }
0xc2: {  	v14 =	vmax.f32 v14, v20;
	v11 =	vld [tilespmem:s13+$0x4B60];
	s13 =	sshra.s32 s17, $0x2;
	s17 =	sadd.s32 $0x200, s17  }
0xc3: {  	v18 =	vld [tilespmem:s13+$0x4B70]  }
0xc4: {  	v19 =	vld [tilespmem:s13+$0x4B00]  }
0xc5: {  	v20 =	vld [tilespmem:s13+$0x4B10]  }
0xc6: {  	v21 =	vld [tilespmem:s13+$0x4B20]  }
0xc7: {  	v22 =	vld [tilespmem:s13+$0x4B30]  }
0xc8: {  	v23 =	vld [tilespmem:s13+$0x4B40]  }
0xc9: {  	v62 =	vld [tilespmem:s13+$0x4B60];
	v16 =	vmax.f32 v16, v19  }
0xca: {  	v24 =	vld [tilespmem:s13+$0x4B50];
	v7 =	vmax.f32 v7, v17;
	v14 =	vmax.f32 v14, v20;
	[tilespmem:$0x6C00] =	vst v16  }
0xcb: {  	s0 =	sor.u32 s3, s15;
	v12 =	vmax.f32 v12, v15;
	v7 =	vmax.f32 v7, v21;
	[tilespmem:$0x6C10] =	vst v14  }
0xcc: {  	s0 =	sshrl.u32 s0, $0x3;
	v9 =	vmax.f32 v13, v9;
	v12 =	vmax.f32 v12, v22;
	[tilespmem:$0x6C20] =	vst v7  }
0xcd: {  	s31 =	sshll.u32 s15, $0x7;
	s0 =	smul.u32 $0xC00, s0;
	v6 =	vmax.f32 v6, v11;
	v63 =	vmax.f32 v9, v23;
	[tilespmem:$0x6C30] =	vst v12  }
0xce: {  	s13 =	sand.u32 $0x380, s31;
	v6 =	vmax.f32 v6, v62;
	[tilespmem:$0x6C40] =	vst v63  }
0xcf: {  	s15 =	sadd.s32 $0x1, s15;
	s0 =	sor.u32 s13, s0;
	v5 =	vmax.f32 v5, v18;
	v7 =	vmax.f32 v8, v10;
	[tilespmem:$0x6C60] =	vst v6  }
0xd0: {  	p0 =	sne.s32 s15, $0x80;
	s0 =	sshrl.u32 s0, $0x3;
	[tilespmem:$0x6C70] =	vst v5;
	v7 =	vmax.f32 v7, v24  }
.Ltmp4:
0xd1: {  	s0 =	sadd.s32 s7, s0;
	[tilespmem:$0x6C50] =	vst v7;
	(pc) =	sbr.rel @p0 .LBB2_2-.Ltmp4, $4  }
0xd2: {  	[hbm4b:s0+s16] =	stream.strided.scatter [tilespmem:s12], [sflag:$0x4], $0x180, s11, s16, $0x38;
	[tilespmem:$0x6C80] =	vst v63  }
0xd3: {  	_ =	swait.ge [sflag:s18], $0x180  }
0xd4: {  	[sflag:s18] =	ssyncset.done $0x0  }
0xd5: {  	[sflag:s18] =	ssyncadd.s32 $0xFFFFFE80  }
0xd6: {  	s13 =	rddreg [dreg:$0xa]  }
0xd7: {  	s0 =	rddreg [dreg:$0x9];
	s13 =	sadd.s32 $0x1, s13  }
0xd8: {  	p0 =	sne.s32 s13, s0  }
.Ltmp5:
0xd9: {  	_ = 	snop;
	(pc) =	sbr.rel @p0 .LBB2_1-.Ltmp5, $1  }
0xda: {  	_ =	sdelay $0x3  }
0xdb: {  	_ =	sfence.sel $0x180000  }
0xdc: {  	[bflag:$0x0] =	sbarrier.arrive $0xFFFF  }
0xdd: {  	_ =	strace $0x90000047  }
0xde: {  	s0 =	stileid.u32;
	[bflag:$0x2] =	sbarrier.arrive $0xFFFF  }
0xdf: {  	p0 =	sne.s32 s0, $0x0;
	s0 =	rddreg [dreg:$0x2]  }
0xe0: {  	s0 =	sadd.s32 @!p0 $0x100000, s0  }
0xe1: {  	[sflag:s0] =	ssyncadd.tile.s32 @!p0 $0x1;
	_ =	shalt  }
.Lfunc_end2:
_tile_overlayer_lowered:
.L_overlay_start_2:
0xe2: {  	(tag) =	ssettag $0x2  }
0xe3: {  	s0 =	rddreg [dreg:$0x0];
	s2 =	stileid.u32  }
0xe4: {  	s1 =	rddreg [dreg:$0x1];
	p0 =	sne.s32 s2, $0x0  }
0xe5: {  	s3 =	rddreg [dreg:$0x2];
	[bflag:$0x3] =	sbarrier.arrive $0xFFFF;
	s2 =	simm.s32 @!p0 $0x1C04  }
0xe6: {  	[timem:s3], [sflag:s2] =	dma.local @!p0 [hbm:s0], s1  }
0xe7: {  	s0 =	simm.s32 @!p0 $0x4  }
0xe8: {  	_ =	swait.ge @!p0 [sflag:s0], s1  }
0xe9: {  	s1 =	ssub.s32 @!p0 $0x0, s1;
	[sflag:s0] =	ssyncset.done @!p0 $0x0  }
0xea: {  	[sflag:s0] =	ssyncadd.s32 @!p0 s1  }
0xeb: {  	[bflag:$0x3] =	sbarrier.arrive $0xFFFF  }
0xec: {  	_ =	shalt  }

</sc_bundles>
